<compile_context>
chip_gen: v7x
topology: tpu7x:2x2x1
jax: 0.10.2.dev20260603
libtpu: 0.0.44.dev20260713+nightly
codegen_flags: <defaults>
</compile_context>

<pallas_src>
import functools

import jax
import jax.numpy as jnp
from jax import lax
from jax.experimental import pallas as pl
from jax.experimental.pallas import tpu as pltpu
from jax.experimental.pallas import tpu_sc as plsc

_LANES = 16
_CHUNK = 16


@functools.lru_cache(maxsize=None)
def _build_sc_add(B, L, D, C):
    NC, NS = 2, 16
    NW = NC * NS
    assert NW % B == 0 and D % _LANES == 0 and C == _LANES
    WPB = NW // B
    RPW = L // WPB
    assert RPW % C == 0
    G = RPW // C
    assert G >= 2
    NB = 4
    NBP = 3

    mesh = plsc.VectorSubcoreMesh(core_axis_name="c", subcore_axis_name="s")

    @functools.partial(
        pl.kernel,
        mesh=mesh,
        out_type=jax.ShapeDtypeStruct((B * L, D), jnp.float32),
        scratch_types=[
            pltpu.VMEM((NB, C, D), jnp.float32),
            pltpu.VMEM((NBP, C, D), jnp.float32),
            pltpu.VMEM((16,), jnp.int32),
            pltpu.SemaphoreType.DMA((NB,)),
            pltpu.SemaphoreType.DMA((NBP,)),
            pltpu.SemaphoreType.DMA((NB,)),
        ],
        compiler_params=pltpu.CompilerParams(needs_layout_passes=False),
    )
    def sc_add(emb_hbm, start_hbm, pe_hbm, out_hbm, emb_v, pe_v, start_v,
               sem_e, sem_p, sem_o):
        wid = lax.axis_index("s") * NC + lax.axis_index("c")
        b = wid // WPB
        w = wid % WPB
        pltpu.sync_copy(start_hbm, start_v)
        start_b = plsc.load_gather(start_v, [jnp.full((_LANES,), b, jnp.int32)])
        lanes = lax.iota(jnp.int32, _LANES)
        grow0 = b * L + w * RPW
        pbase = start_b + w * RPW + lanes

        def in_emb(g):
            return pltpu.make_async_copy(
                emb_hbm.at[pl.ds(grow0 + g * C, C), :],
                emb_v.at[g % NB], sem_e.at[g % NB])

        def in_pe(g):
            return pltpu.make_async_copy(
                pe_hbm.at[pbase + g * C], pe_v.at[g % NBP], sem_p.at[g % NBP])

        def out_cp(g):
            return pltpu.make_async_copy(
                emb_v.at[g % NB],
                out_hbm.at[pl.ds(grow0 + g * C, C), :], sem_o.at[g % NB])

        in_emb(0).start()
        in_pe(0).start()
        in_pe(1).start()

        def chunk_body(g, carry):
            i = g % NB
            ip = g % NBP

            @pl.when(g >= NB - 1)
            def _():
                out_cp(g + 1 - NB).wait()

            @pl.when(g + 1 < G)
            def _():
                in_emb(g + 1).start()

            @pl.when(g + 2 < G)
            def _():
                in_pe(g + 2).start()

            in_emb(g).wait()
            in_pe(g).wait()

            @plsc.parallel_loop(0, C, unroll=1)
            def _row(r):
                for j in range(D // _LANES):
                    sl = pl.ds(j * _LANES, _LANES)
                    plsc.addupdate(emb_v.at[i, r, sl], pe_v[ip, r, sl])
            out_cp(g).start()
            return carry

        lax.fori_loop(0, G, chunk_body, 0)
        for k in range(NB - 1):
            out_cp(G - 1 - k).wait()

    return sc_add


def kernel(emb, shift, pe):
    B, L, D = emb.shape
    max_len = pe.shape[0]
    start = max_len // 2 - shift.astype(jnp.int32)
    start16 = jnp.pad(start, (0, 16 - B))
    out = _build_sc_add(B, L, D, _CHUNK)(emb.reshape(B * L, D), start16, pe)
    return out.reshape(B, L, D)

# --- scband reference (transcript-rebuilt; emitter-appended) ---
"""Pipeline reference for scband-relative-positional-encoding-35235911696711 (READ-ONLY COPY).

The authoritative reference and input builder live on the scoring server;
editing this copy changes nothing except your own understanding.
"""

import math
import jax, jax.numpy as jnp
import numpy as np

DIM = 1024
MAX_LEN = 16384
BATCH = 4
SEQ = 4096


def _build_pe(dim, max_len):
    mid_pos = max_len // 2
    position = np.arange(0, max_len, dtype=np.float32)[:, None] - mid_pos
    div_term = np.exp(np.arange(0, dim, 2, dtype=np.float32) * -(math.log(10000.0) / dim))
    pe = np.zeros((max_len, dim), dtype=np.float32)
    pe[:, 0::2] = np.sin(position * div_term[None, :])
    pe[:, 1::2] = np.cos(position * div_term[None, :])
    return jnp.asarray(pe)


def setup_inputs(seed: int = 0) -> dict:
    key = jax.random.key(seed)
    k_emb, k_shift = jax.random.split(key, 2)
    emb = jax.random.normal(k_emb, (BATCH, SEQ, DIM), dtype=jnp.float32)
    shift = jax.random.randint(k_shift, (BATCH,), 0, MAX_LEN // 2, dtype=jnp.int64)
    pe = _build_pe(DIM, MAX_LEN)
    return {"emb": emb, "shift": shift, "pe": pe}


def reference(emb, shift, pe):
    # Faithful translation of RelativePositionalEncoding.forward
    bsz, length, _ = emb.shape
    max_len = pe.shape[0]
    mid_pos = max_len // 2
    index = jnp.arange(mid_pos, mid_pos + length)[None, :]  # [1, L]
    index = jnp.broadcast_to(index, (bsz, length)) - shift[:, None]  # [B, L]
    pe_gathered = jnp.take(pe, index, axis=0)  # [B, L, dim] gather
    return emb + pe_gathered

if __name__ == "__main__":
    import jax
    _d = setup_inputs()
    print(jax.jit(kernel)(*tuple(_d.values())))

</pallas_src>

<mosaic_0001>
#map = affine_map<(d0, d1) -> (0, 0)>
#map1 = affine_map<(d0, d1) -> (0)>
module attributes {stable_mosaic.version = 14 : i64} {
  func.func @sc_add(%arg0: i32, %arg1: i32, %arg2: memref<16384x1024xf32, #tpu.memory_space<hbm>>, %arg3: memref<16xi32, #tpu.memory_space<hbm>>, %arg4: memref<16384x1024xf32, #tpu.memory_space<hbm>>, %arg5: memref<16384x1024xf32, #tpu.memory_space<hbm>>, %arg6: memref<4x16x1024xf32, #tpu.memory_space<vmem>>, %arg7: memref<3x16x1024xf32, #tpu.memory_space<vmem>>, %arg8: memref<16xi32, #tpu.memory_space<vmem>>, %arg9: memref<4x!tpu.dma_semaphore, #tpu.memory_space<semaphore_mem>>, %arg10: memref<3x!tpu.dma_semaphore, #tpu.memory_space<semaphore_mem>>, %arg11: memref<4x!tpu.dma_semaphore, #tpu.memory_space<semaphore_mem>>) attributes {dimension_semantics = [#tpu.dimension_semantics<core_parallel>, #tpu.dimension_semantics<subcore_parallel>], iteration_bounds = array<i64: 2, 16>, scalar_prefetch = 0 : i64, scratch_operands = 6 : i64, tpu.core_type = #tpu.core_type<sc_vector_subcore>, window_params = [{transform_indices = #map}, {transform_indices = #map1}, {transform_indices = #map}, {transform_indices = #map}]} {
    %mul3A = arith.constant 2 : i32
    %mul3A_0 = arith.muli %arg1, %mul3A : i32
    %add3A = arith.addi %mul3A_0, %arg0 : i32
    %jit3A = arith.constant 8 : i32
    %div3A = arith.divsi %add3A, %jit3A : i32
    %sign3A = arith.constant 0 : i32
    %sign3A_1 = arith.cmpi sgt, %add3A, %sign3A : i32
    %sign3A_2 = arith.extui %sign3A_1 : i1 to i32
    %sign3A_3 = arith.constant 0 : i32
    %sign3A_4 = arith.cmpi slt, %add3A, %sign3A_3 : i32
    %sign3A_5 = arith.extui %sign3A_4 : i1 to i32
    %sign3A_6 = arith.subi %sign3A_2, %sign3A_5 : i32
    %sign3A_7 = arith.constant 0 : i32
    %sign3A_8 = arith.cmpi sgt, %jit3A, %sign3A_7 : i32
    %sign3A_9 = arith.extui %sign3A_8 : i1 to i32
    %sign3A_10 = arith.constant 0 : i32
    %sign3A_11 = arith.cmpi slt, %jit3A, %sign3A_10 : i32
    %sign3A_12 = arith.extui %sign3A_11 : i1 to i32
    %sign3A_13 = arith.subi %sign3A_9, %sign3A_12 : i32
    %ne3A = arith.cmpi ne, %sign3A_6, %sign3A_13 : i32
    %rem3A = arith.remsi %add3A, %jit3A : i32
    %ne3A_14 = arith.constant 0 : i32
    %ne3A_15 = arith.cmpi ne, %rem3A, %ne3A_14 : i32
    %and3A = arith.andi %ne3A, %ne3A_15 : i1
    %sub3A = arith.constant 1 : i32
    %sub3A_16 = arith.subi %div3A, %sub3A : i32
    %select_n3A = arith.select %and3A, %sub3A_16, %div3A : i32
    %jit3A_17 = arith.constant 8 : i32
    %eq3A = arith.constant 0 : i32
    %eq3A_18 = arith.cmpi eq, %jit3A_17, %eq3A : i32
    %jit3A_19 = arith.constant 1 : i32
    %select_n3A_20 = arith.select %eq3A_18, %jit3A_19, %jit3A_17 : i32
    %rem3A_21 = arith.remsi %add3A, %select_n3A_20 : i32
    %ne3A_22 = arith.constant 0 : i32
    %ne3A_23 = arith.cmpi ne, %rem3A_21, %ne3A_22 : i32
    %lt3A = arith.constant 0 : i32
    %lt3A_24 = arith.cmpi slt, %rem3A_21, %lt3A : i32
    %lt3A_25 = arith.constant 0 : i32
    %lt3A_26 = arith.cmpi slt, %select_n3A_20, %lt3A_25 : i32
    %ne3A_27 = arith.xori %lt3A_24, %lt3A_26 : i1
    %and3A_28 = arith.andi %ne3A_27, %ne3A_23 : i1
    %add3A_29 = arith.addi %rem3A_21, %select_n3A_20 : i32
    %select_n3A_30 = arith.select %and3A_28, %add3A_29, %rem3A_21 : i32
    "tpu.region"() ({
      %run_scoped3A = tpu.sem_alloc : memref<!tpu.dma_semaphore, #tpu.memory_space<semaphore_mem>>
      tpu.enqueue_dma source(%arg3 : memref<16xi32, #tpu.memory_space<hbm>>) target(%arg8 : memref<16xi32, #tpu.memory_space<vmem>>) target_semaphore(%run_scoped3A : memref<!tpu.dma_semaphore, #tpu.memory_space<semaphore_mem>>)
      tpu.wait_dma2 semaphore(%run_scoped3A : memref<!tpu.dma_semaphore, #tpu.memory_space<semaphore_mem>>) src(%arg3 : memref<16xi32, #tpu.memory_space<hbm>>) dst(%arg8 : memref<16xi32, #tpu.memory_space<vmem>>)
      tpu.yield
    }) : () -> ()
    %broadcast_in_dim3A = vector.broadcast %select_n3A : i32 to vector<16xi32>
    %gather3A = tpu.vector_load_idx %arg8[%broadcast_in_dim3A] : memref<16xi32, #tpu.memory_space<vmem>>[vector<16xi32>], vector<16xi32>,
    %iota3A = tpu.iota {dimensions = array<i32: 0>} : vector<16xi32>
    %mul3A_31 = arith.constant 4096 : i32
    %mul3A_32 = arith.muli %select_n3A, %mul3A_31 : i32
    %mul3A_33 = arith.constant 512 : i32
    %mul3A_34 = arith.muli %select_n3A_30, %mul3A_33 : i32
    %add3A_35 = arith.addi %mul3A_32, %mul3A_34 : i32
    %mul3A_36 = arith.constant 512 : i32
    %mul3A_37 = arith.muli %select_n3A_30, %mul3A_36 : i32
    %add3A_38 = vector.broadcast %mul3A_37 : i32 to vector<16xi32>
    %add3A_39 = arith.addi %gather3A, %add3A_38 : vector<16xi32>
    %add3A_40 = arith.addi %add3A_39, %iota3A : vector<16xi32>
    %add3A_41 = arith.constant 0 : i32
    %add3A_42 = arith.addi %add3A_35, %add3A_41 : i32
    %dma_start3A = arith.constant 0 : i32
    %dma_start3A_43 = arith.constant 0 : i32
    %dma_start3A_44 = arith.constant 0 : i32
    %dma_start3A_45 = arith.constant 0 : i32
    %dma_start3A_46 = tpu.memref_slice %arg6[%dma_start3A, %dma_start3A_44, %dma_start3A_45] : memref<4x16x1024xf32, #tpu.memory_space<vmem>> -> memref<1x16x1024xf32, #tpu.memory_space<vmem>>
    %dma_start3A_47 = tpu.memref_squeeze %dma_start3A_46 : memref<1x16x1024xf32, #tpu.memory_space<vmem>> -> memref<16x1024xf32, #tpu.memory_space<vmem>>
    %dma_start3A_48 = arith.constant 0 : i32
    %dma_start3A_49 = tpu.memref_slice %arg2[%add3A_42, %dma_start3A_48] : memref<16384x1024xf32, #tpu.memory_space<hbm>> -> memref<16x1024xf32, #tpu.memory_space<hbm>>
    %dma_start3A_50 = tpu.memref_slice %arg9[%dma_start3A_43] : memref<4x!tpu.dma_semaphore, #tpu.memory_space<semaphore_mem>> -> memref<1x!tpu.dma_semaphore, #tpu.memory_space<semaphore_mem>>
    %dma_start3A_51 = tpu.memref_squeeze %dma_start3A_50 : memref<1x!tpu.dma_semaphore, #tpu.memory_space<semaphore_mem>> -> memref<!tpu.dma_semaphore, #tpu.memory_space<semaphore_mem>>
    %dma_start3A_52 = arith.constant 0 : i32
    %dma_start3A_53 = arith.constant 0 : i32
    %dma_start3A_54 = tpu.memref_slice %arg6[%dma_start3A, %dma_start3A_52, %dma_start3A_53] : memref<4x16x1024xf32, #tpu.memory_space<vmem>> -> memref<1x16x1024xf32, #tpu.memory_space<vmem>>
    %dma_start3A_55 = tpu.memref_squeeze %dma_start3A_54 : memref<1x16x1024xf32, #tpu.memory_space<vmem>> -> memref<16x1024xf32, #tpu.memory_space<vmem>>
    %dma_start3A_56 = arith.constant 0 : i32
    %dma_start3A_57 = tpu.memref_slice %arg2[%add3A_42, %dma_start3A_56] : memref<16384x1024xf32, #tpu.memory_space<hbm>> -> memref<16x1024xf32, #tpu.memory_space<hbm>>
    tpu.enqueue_dma source(%dma_start3A_57 : memref<16x1024xf32, #tpu.memory_space<hbm>>) target(%dma_start3A_55 : memref<16x1024xf32, #tpu.memory_space<vmem>>) target_semaphore(%dma_start3A_51 : memref<!tpu.dma_semaphore, #tpu.memory_space<semaphore_mem>>)
    %add3A_58 = arith.constant 0 : i32
    %add3A_59 = vector.broadcast %add3A_58 : i32 to vector<16xi32>
    %add3A_60 = arith.addi %add3A_40, %add3A_59 : vector<16xi32>
    %dma_start3A_61 = arith.constant 0 : i32
    %dma_start3A_62 = arith.constant 0 : i32
    %dma_start3A_63 = arith.constant 0 : i32
    %dma_start3A_64 = arith.constant 0 : i32
    %dma_start3A_65 = tpu.memref_slice %arg7[%dma_start3A_61, %dma_start3A_63, %dma_start3A_64] : memref<3x16x1024xf32, #tpu.memory_space<vmem>> -> memref<1x16x1024xf32, #tpu.memory_space<vmem>>
    %dma_start3A_66 = tpu.memref_squeeze %dma_start3A_65 : memref<1x16x1024xf32, #tpu.memory_space<vmem>> -> memref<16x1024xf32, #tpu.memory_space<vmem>>
    %dma_start3A_67 = arith.constant 0 : i32
    %dma_start3A_68 = arith.constant 0 : i32
    %dma_start3A_69 = tpu.memref_slice %arg4[%dma_start3A_67, %dma_start3A_68] : memref<16384x1024xf32, #tpu.memory_space<hbm>> -> memref<16384x1024xf32, #tpu.memory_space<hbm>>
    %dma_start3A_70 = tpu.memref_slice %arg10[%dma_start3A_62] : memref<3x!tpu.dma_semaphore, #tpu.memory_space<semaphore_mem>> -> memref<1x!tpu.dma_semaphore, #tpu.memory_space<semaphore_mem>>
    %dma_start3A_71 = tpu.memref_squeeze %dma_start3A_70 : memref<1x!tpu.dma_semaphore, #tpu.memory_space<semaphore_mem>> -> memref<!tpu.dma_semaphore, #tpu.memory_space<semaphore_mem>>
    tpu.enqueue_indirect_dma source(%dma_start3A_69 : memref<16384x1024xf32, #tpu.memory_space<hbm>>) target(%dma_start3A_66 : memref<16x1024xf32, #tpu.memory_space<vmem>>) offsets(%add3A_60 : vector<16xi32>) semaphore(%dma_start3A_71 : memref<!tpu.dma_semaphore, #tpu.memory_space<semaphore_mem>>)
    %add3A_72 = arith.constant 16 : i32
    %add3A_73 = vector.broadcast %add3A_72 : i32 to vector<16xi32>
    %add3A_74 = arith.addi %add3A_40, %add3A_73 : vector<16xi32>
    %dma_start3A_75 = arith.constant 1 : i32
    %dma_start3A_76 = arith.constant 1 : i32
    %dma_start3A_77 = arith.constant 0 : i32
    %dma_start3A_78 = arith.constant 0 : i32
    %dma_start3A_79 = tpu.memref_slice %arg7[%dma_start3A_75, %dma_start3A_77, %dma_start3A_78] : memref<3x16x1024xf32, #tpu.memory_space<vmem>> -> memref<1x16x1024xf32, #tpu.memory_space<vmem>>
    %dma_start3A_80 = tpu.memref_squeeze %dma_start3A_79 : memref<1x16x1024xf32, #tpu.memory_space<vmem>> -> memref<16x1024xf32, #tpu.memory_space<vmem>>
    %dma_start3A_81 = arith.constant 0 : i32
    %dma_start3A_82 = arith.constant 0 : i32
    %dma_start3A_83 = tpu.memref_slice %arg4[%dma_start3A_81, %dma_start3A_82] : memref<16384x1024xf32, #tpu.memory_space<hbm>> -> memref<16384x1024xf32, #tpu.memory_space<hbm>>
    %dma_start3A_84 = tpu.memref_slice %arg10[%dma_start3A_76] : memref<3x!tpu.dma_semaphore, #tpu.memory_space<semaphore_mem>> -> memref<1x!tpu.dma_semaphore, #tpu.memory_space<semaphore_mem>>
    %dma_start3A_85 = tpu.memref_squeeze %dma_start3A_84 : memref<1x!tpu.dma_semaphore, #tpu.memory_space<semaphore_mem>> -> memref<!tpu.dma_semaphore, #tpu.memory_space<semaphore_mem>>
    tpu.enqueue_indirect_dma source(%dma_start3A_83 : memref<16384x1024xf32, #tpu.memory_space<hbm>>) target(%dma_start3A_80 : memref<16x1024xf32, #tpu.memory_space<vmem>>) offsets(%add3A_74 : vector<16xi32>) semaphore(%dma_start3A_85 : memref<!tpu.dma_semaphore, #tpu.memory_space<semaphore_mem>>)
    %scan3A = arith.constant 0 : i32
    %scan3A_86 = arith.constant 0 : i32
    %scan3A_87 = arith.constant 32 : i32
    %scan3A_88 = arith.addi %scan3A_86, %scan3A_87 : i32
    %scan3A_89 = arith.constant 1 : i32
    scf.for %scan3A_144 = %scan3A_86 to %scan3A_88 step %scan3A_89  : i32 {
      %jit3A_145 = arith.constant 4 : i32
      %eq3A_146 = arith.constant 0 : i32
      %eq3A_147 = arith.cmpi eq, %jit3A_145, %eq3A_146 : i32
      %jit3A_148 = arith.constant 1 : i32
      %select_n3A_149 = arith.select %eq3A_147, %jit3A_148, %jit3A_145 : i32
      %rem3A_150 = arith.remsi %scan3A_144, %select_n3A_149 : i32
      %ne3A_151 = arith.constant 0 : i32
      %ne3A_152 = arith.cmpi ne, %rem3A_150, %ne3A_151 : i32
      %lt3A_153 = arith.constant 0 : i32
      %lt3A_154 = arith.cmpi slt, %rem3A_150, %lt3A_153 : i32
      %lt3A_155 = arith.constant 0 : i32
      %lt3A_156 = arith.cmpi slt, %select_n3A_149, %lt3A_155 : i32
      %ne3A_157 = arith.xori %lt3A_154, %lt3A_156 : i1
      %and3A_158 = arith.andi %ne3A_157, %ne3A_152 : i1
      %add3A_159 = arith.addi %rem3A_150, %select_n3A_149 : i32
      %select_n3A_160 = arith.select %and3A_158, %add3A_159, %rem3A_150 : i32
      %jit3A_161 = arith.constant 3 : i32
      %eq3A_162 = arith.constant 0 : i32
      %eq3A_163 = arith.cmpi eq, %jit3A_161, %eq3A_162 : i32
      %jit3A_164 = arith.constant 1 : i32
      %select_n3A_165 = arith.select %eq3A_163, %jit3A_164, %jit3A_161 : i32
      %rem3A_166 = arith.remsi %scan3A_144, %select_n3A_165 : i32
      %ne3A_167 = arith.constant 0 : i32
      %ne3A_168 = arith.cmpi ne, %rem3A_166, %ne3A_167 : i32
      %lt3A_169 = arith.constant 0 : i32
      %lt3A_170 = arith.cmpi slt, %rem3A_166, %lt3A_169 : i32
      %lt3A_171 = arith.constant 0 : i32
      %lt3A_172 = arith.cmpi slt, %select_n3A_165, %lt3A_171 : i32
      %ne3A_173 = arith.xori %lt3A_170, %lt3A_172 : i1
      %and3A_174 = arith.andi %ne3A_173, %ne3A_168 : i1
      %add3A_175 = arith.addi %rem3A_166, %select_n3A_165 : i32
      %select_n3A_176 = arith.select %and3A_174, %add3A_175, %rem3A_166 : i32
      %ge3A = arith.constant 3 : i32
      %ge3A_177 = arith.cmpi sge, %scan3A_144, %ge3A : i32
      %convert_element_type3A = arith.extui %ge3A_177 : i1 to i32
      %cond3A = arith.constant 0 : i32
      %cond3A_178 = arith.cmpi ne, %convert_element_type3A, %cond3A : i32
      scf.if %cond3A_178 {
        %add3A_338 = arith.constant 1 : i32
        %add3A_339 = arith.addi %scan3A_144, %add3A_338 : i32
        %sub3A_340 = arith.constant 4 : i32
        %sub3A_341 = arith.subi %add3A_339, %sub3A_340 : i32
        %jit3A_342 = arith.constant 4 : i32
        %eq3A_343 = arith.constant 0 : i32
        %eq3A_344 = arith.cmpi eq, %jit3A_342, %eq3A_343 : i32
        %jit3A_345 = arith.constant 1 : i32
        %select_n3A_346 = arith.select %eq3A_344, %jit3A_345, %jit3A_342 : i32
        %rem3A_347 = arith.remsi %sub3A_341, %select_n3A_346 : i32
        %ne3A_348 = arith.constant 0 : i32
        %ne3A_349 = arith.cmpi ne, %rem3A_347, %ne3A_348 : i32
        %lt3A_350 = arith.constant 0 : i32
        %lt3A_351 = arith.cmpi slt, %rem3A_347, %lt3A_350 : i32
        %lt3A_352 = arith.constant 0 : i32
        %lt3A_353 = arith.cmpi slt, %select_n3A_346, %lt3A_352 : i32
        %ne3A_354 = arith.xori %lt3A_351, %lt3A_353 : i1
        %and3A_355 = arith.andi %ne3A_354, %ne3A_349 : i1
        %add3A_356 = arith.addi %rem3A_347, %select_n3A_346 : i32
        %select_n3A_357 = arith.select %and3A_355, %add3A_356, %rem3A_347 : i32
        %mul3A_358 = arith.constant 16 : i32
        %mul3A_359 = arith.muli %sub3A_341, %mul3A_358 : i32
        %add3A_360 = arith.addi %add3A_35, %mul3A_359 : i32
        %jit3A_361 = arith.constant 4 : i32
        %eq3A_362 = arith.constant 0 : i32
        %eq3A_363 = arith.cmpi eq, %jit3A_361, %eq3A_362 : i32
        %jit3A_364 = arith.constant 1 : i32
        %select_n3A_365 = arith.select %eq3A_363, %jit3A_364, %jit3A_361 : i32
        %rem3A_366 = arith.remsi %sub3A_341, %select_n3A_365 : i32
        %ne3A_367 = arith.constant 0 : i32
        %ne3A_368 = arith.cmpi ne, %rem3A_366, %ne3A_367 : i32
        %lt3A_369 = arith.constant 0 : i32
        %lt3A_370 = arith.cmpi slt, %rem3A_366, %lt3A_369 : i32
        %lt3A_371 = arith.constant 0 : i32
        %lt3A_372 = arith.cmpi slt, %select_n3A_365, %lt3A_371 : i32
        %ne3A_373 = arith.xori %lt3A_370, %lt3A_372 : i1
        %and3A_374 = arith.andi %ne3A_373, %ne3A_368 : i1
        %add3A_375 = arith.addi %rem3A_366, %select_n3A_365 : i32
        %select_n3A_376 = arith.select %and3A_374, %add3A_375, %rem3A_366 : i32
        %dma_wait3A_377 = arith.constant 0 : i32
        %dma_wait3A_378 = arith.constant 0 : i32
        %dma_wait3A_379 = tpu.memref_slice %arg6[%select_n3A_357, %dma_wait3A_377, %dma_wait3A_378] : memref<4x16x1024xf32, #tpu.memory_space<vmem>> -> memref<1x16x1024xf32, #tpu.memory_space<vmem>>
        %dma_wait3A_380 = tpu.memref_squeeze %dma_wait3A_379 : memref<1x16x1024xf32, #tpu.memory_space<vmem>> -> memref<16x1024xf32, #tpu.memory_space<vmem>>
        %dma_wait3A_381 = arith.constant 0 : i32
        %dma_wait3A_382 = tpu.memref_slice %arg5[%add3A_360, %dma_wait3A_381] : memref<16384x1024xf32, #tpu.memory_space<hbm>> -> memref<16x1024xf32, #tpu.memory_space<hbm>>
        %dma_wait3A_383 = tpu.memref_slice %arg11[%select_n3A_376] : memref<4x!tpu.dma_semaphore, #tpu.memory_space<semaphore_mem>> -> memref<1x!tpu.dma_semaphore, #tpu.memory_space<semaphore_mem>>
        %dma_wait3A_384 = tpu.memref_squeeze %dma_wait3A_383 : memref<1x!tpu.dma_semaphore, #tpu.memory_space<semaphore_mem>> -> memref<!tpu.dma_semaphore, #tpu.memory_space<semaphore_mem>>
        %dma_wait3A_385 = arith.constant 0 : i32
        %dma_wait3A_386 = tpu.memref_slice %arg5[%add3A_360, %dma_wait3A_385] : memref<16384x1024xf32, #tpu.memory_space<hbm>> -> memref<16x1024xf32, #tpu.memory_space<hbm>>
        %dma_wait3A_387 = arith.constant 0 : i32
        %dma_wait3A_388 = arith.constant 0 : i32
        %dma_wait3A_389 = tpu.memref_slice %arg6[%select_n3A_357, %dma_wait3A_387, %dma_wait3A_388] : memref<4x16x1024xf32, #tpu.memory_space<vmem>> -> memref<1x16x1024xf32, #tpu.memory_space<vmem>>
        %dma_wait3A_390 = tpu.memref_squeeze %dma_wait3A_389 : memref<1x16x1024xf32, #tpu.memory_space<vmem>> -> memref<16x1024xf32, #tpu.memory_space<vmem>>
        tpu.wait_dma2 semaphore(%dma_wait3A_384 : memref<!tpu.dma_semaphore, #tpu.memory_space<semaphore_mem>>) src(%dma_wait3A_390 : memref<16x1024xf32, #tpu.memory_space<vmem>>) dst(%dma_wait3A_386 : memref<16x1024xf32, #tpu.memory_space<hbm>>)
      } else {
      }
      %add3A_179 = arith.constant 1 : i32
      %add3A_180 = arith.addi %scan3A_144, %add3A_179 : i32
      %lt3A_181 = arith.constant 32 : i32
      %lt3A_182 = arith.cmpi slt, %add3A_180, %lt3A_181 : i32
      %convert_element_type3A_183 = arith.extui %lt3A_182 : i1 to i32
      %cond3A_184 = arith.constant 0 : i32
      %cond3A_185 = arith.cmpi ne, %convert_element_type3A_183, %cond3A_184 : i32
      scf.if %cond3A_185 {
        %add3A_338 = arith.constant 1 : i32
        %add3A_339 = arith.addi %scan3A_144, %add3A_338 : i32
        %mul3A_340 = arith.constant 16 : i32
        %mul3A_341 = arith.muli %add3A_339, %mul3A_340 : i32
        %add3A_342 = arith.addi %add3A_35, %mul3A_341 : i32
        %jit3A_343 = arith.constant 4 : i32
        %eq3A_344 = arith.constant 0 : i32
        %eq3A_345 = arith.cmpi eq, %jit3A_343, %eq3A_344 : i32
        %jit3A_346 = arith.constant 1 : i32
        %select_n3A_347 = arith.select %eq3A_345, %jit3A_346, %jit3A_343 : i32
        %rem3A_348 = arith.remsi %add3A_339, %select_n3A_347 : i32
        %ne3A_349 = arith.constant 0 : i32
        %ne3A_350 = arith.cmpi ne, %rem3A_348, %ne3A_349 : i32
        %lt3A_351 = arith.constant 0 : i32
        %lt3A_352 = arith.cmpi slt, %rem3A_348, %lt3A_351 : i32
        %lt3A_353 = arith.constant 0 : i32
        %lt3A_354 = arith.cmpi slt, %select_n3A_347, %lt3A_353 : i32
        %ne3A_355 = arith.xori %lt3A_352, %lt3A_354 : i1
        %and3A_356 = arith.andi %ne3A_355, %ne3A_350 : i1
        %add3A_357 = arith.addi %rem3A_348, %select_n3A_347 : i32
        %select_n3A_358 = arith.select %and3A_356, %add3A_357, %rem3A_348 : i32
        %jit3A_359 = arith.constant 4 : i32
        %eq3A_360 = arith.constant 0 : i32
        %eq3A_361 = arith.cmpi eq, %jit3A_359, %eq3A_360 : i32
        %jit3A_362 = arith.constant 1 : i32
        %select_n3A_363 = arith.select %eq3A_361, %jit3A_362, %jit3A_359 : i32
        %rem3A_364 = arith.remsi %add3A_339, %select_n3A_363 : i32
        %ne3A_365 = arith.constant 0 : i32
        %ne3A_366 = arith.cmpi ne, %rem3A_364, %ne3A_365 : i32
        %lt3A_367 = arith.constant 0 : i32
        %lt3A_368 = arith.cmpi slt, %rem3A_364, %lt3A_367 : i32
        %lt3A_369 = arith.constant 0 : i32
        %lt3A_370 = arith.cmpi slt, %select_n3A_363, %lt3A_369 : i32
        %ne3A_371 = arith.xori %lt3A_368, %lt3A_370 : i1
        %and3A_372 = arith.andi %ne3A_371, %ne3A_366 : i1
        %add3A_373 = arith.addi %rem3A_364, %select_n3A_363 : i32
        %select_n3A_374 = arith.select %and3A_372, %add3A_373, %rem3A_364 : i32
        %dma_start3A_375 = arith.constant 0 : i32
        %dma_start3A_376 = arith.constant 0 : i32
        %dma_start3A_377 = tpu.memref_slice %arg6[%select_n3A_358, %dma_start3A_375, %dma_start3A_376] : memref<4x16x1024xf32, #tpu.memory_space<vmem>> -> memref<1x16x1024xf32, #tpu.memory_space<vmem>>
        %dma_start3A_378 = tpu.memref_squeeze %dma_start3A_377 : memref<1x16x1024xf32, #tpu.memory_space<vmem>> -> memref<16x1024xf32, #tpu.memory_space<vmem>>
        %dma_start3A_379 = arith.constant 0 : i32
        %dma_start3A_380 = tpu.memref_slice %arg2[%add3A_342, %dma_start3A_379] : memref<16384x1024xf32, #tpu.memory_space<hbm>> -> memref<16x1024xf32, #tpu.memory_space<hbm>>
        %dma_start3A_381 = tpu.memref_slice %arg9[%select_n3A_374] : memref<4x!tpu.dma_semaphore, #tpu.memory_space<semaphore_mem>> -> memref<1x!tpu.dma_semaphore, #tpu.memory_space<semaphore_mem>>
        %dma_start3A_382 = tpu.memref_squeeze %dma_start3A_381 : memref<1x!tpu.dma_semaphore, #tpu.memory_space<semaphore_mem>> -> memref<!tpu.dma_semaphore, #tpu.memory_space<semaphore_mem>>
        %dma_start3A_383 = arith.constant 0 : i32
        %dma_start3A_384 = arith.constant 0 : i32
        %dma_start3A_385 = tpu.memref_slice %arg6[%select_n3A_358, %dma_start3A_383, %dma_start3A_384] : memref<4x16x1024xf32, #tpu.memory_space<vmem>> -> memref<1x16x1024xf32, #tpu.memory_space<vmem>>
        %dma_start3A_386 = tpu.memref_squeeze %dma_start3A_385 : memref<1x16x1024xf32, #tpu.memory_space<vmem>> -> memref<16x1024xf32, #tpu.memory_space<vmem>>
        %dma_start3A_387 = arith.constant 0 : i32
        %dma_start3A_388 = tpu.memref_slice %arg2[%add3A_342, %dma_start3A_387] : memref<16384x1024xf32, #tpu.memory_space<hbm>> -> memref<16x1024xf32, #tpu.memory_space<hbm>>
        tpu.enqueue_dma source(%dma_start3A_388 : memref<16x1024xf32, #tpu.memory_space<hbm>>) target(%dma_start3A_386 : memref<16x1024xf32, #tpu.memory_space<vmem>>) target_semaphore(%dma_start3A_382 : memref<!tpu.dma_semaphore, #tpu.memory_space<semaphore_mem>>)
      } else {
      }
      %add3A_186 = arith.constant 2 : i32
      %add3A_187 = arith.addi %scan3A_144, %add3A_186 : i32
      %lt3A_188 = arith.constant 32 : i32
      %lt3A_189 = arith.cmpi slt, %add3A_187, %lt3A_188 : i32
      %convert_element_type3A_190 = arith.extui %lt3A_189 : i1 to i32
      %cond3A_191 = arith.constant 0 : i32
      %cond3A_192 = arith.cmpi ne, %convert_element_type3A_190, %cond3A_191 : i32
      scf.if %cond3A_192 {
        %add3A_338 = arith.constant 2 : i32
        %add3A_339 = arith.addi %scan3A_144, %add3A_338 : i32
        %mul3A_340 = arith.constant 16 : i32
        %mul3A_341 = arith.muli %add3A_339, %mul3A_340 : i32
        %add3A_342 = vector.broadcast %mul3A_341 : i32 to vector<16xi32>
        %add3A_343 = arith.addi %add3A_40, %add3A_342 : vector<16xi32>
        %jit3A_344 = arith.constant 3 : i32
        %eq3A_345 = arith.constant 0 : i32
        %eq3A_346 = arith.cmpi eq, %jit3A_344, %eq3A_345 : i32
        %jit3A_347 = arith.constant 1 : i32
        %select_n3A_348 = arith.select %eq3A_346, %jit3A_347, %jit3A_344 : i32
        %rem3A_349 = arith.remsi %add3A_339, %select_n3A_348 : i32
        %ne3A_350 = arith.constant 0 : i32
        %ne3A_351 = arith.cmpi ne, %rem3A_349, %ne3A_350 : i32
        %lt3A_352 = arith.constant 0 : i32
        %lt3A_353 = arith.cmpi slt, %rem3A_349, %lt3A_352 : i32
        %lt3A_354 = arith.constant 0 : i32
        %lt3A_355 = arith.cmpi slt, %select_n3A_348, %lt3A_354 : i32
        %ne3A_356 = arith.xori %lt3A_353, %lt3A_355 : i1
        %and3A_357 = arith.andi %ne3A_356, %ne3A_351 : i1
        %add3A_358 = arith.addi %rem3A_349, %select_n3A_348 : i32
        %select_n3A_359 = arith.select %and3A_357, %add3A_358, %rem3A_349 : i32
        %jit3A_360 = arith.constant 3 : i32
        %eq3A_361 = arith.constant 0 : i32
        %eq3A_362 = arith.cmpi eq, %jit3A_360, %eq3A_361 : i32
        %jit3A_363 = arith.constant 1 : i32
        %select_n3A_364 = arith.select %eq3A_362, %jit3A_363, %jit3A_360 : i32
        %rem3A_365 = arith.remsi %add3A_339, %select_n3A_364 : i32
        %ne3A_366 = arith.constant 0 : i32
        %ne3A_367 = arith.cmpi ne, %rem3A_365, %ne3A_366 : i32
        %lt3A_368 = arith.constant 0 : i32
        %lt3A_369 = arith.cmpi slt, %rem3A_365, %lt3A_368 : i32
        %lt3A_370 = arith.constant 0 : i32
        %lt3A_371 = arith.cmpi slt, %select_n3A_364, %lt3A_370 : i32
        %ne3A_372 = arith.xori %lt3A_369, %lt3A_371 : i1
        %and3A_373 = arith.andi %ne3A_372, %ne3A_367 : i1
        %add3A_374 = arith.addi %rem3A_365, %select_n3A_364 : i32
        %select_n3A_375 = arith.select %and3A_373, %add3A_374, %rem3A_365 : i32
        %dma_start3A_376 = arith.constant 0 : i32
        %dma_start3A_377 = arith.constant 0 : i32
        %dma_start3A_378 = tpu.memref_slice %arg7[%select_n3A_359, %dma_start3A_376, %dma_start3A_377] : memref<3x16x1024xf32, #tpu.memory_space<vmem>> -> memref<1x16x1024xf32, #tpu.memory_space<vmem>>
        %dma_start3A_379 = tpu.memref_squeeze %dma_start3A_378 : memref<1x16x1024xf32, #tpu.memory_space<vmem>> -> memref<16x1024xf32, #tpu.memory_space<vmem>>
        %dma_start3A_380 = arith.constant 0 : i32
        %dma_start3A_381 = arith.constant 0 : i32
        %dma_start3A_382 = tpu.memref_slice %arg4[%dma_start3A_380, %dma_start3A_381] : memref<16384x1024xf32, #tpu.memory_space<hbm>> -> memref<16384x1024xf32, #tpu.memory_space<hbm>>
        %dma_start3A_383 = tpu.memref_slice %arg10[%select_n3A_375] : memref<3x!tpu.dma_semaphore, #tpu.memory_space<semaphore_mem>> -> memref<1x!tpu.dma_semaphore, #tpu.memory_space<semaphore_mem>>
        %dma_start3A_384 = tpu.memref_squeeze %dma_start3A_383 : memref<1x!tpu.dma_semaphore, #tpu.memory_space<semaphore_mem>> -> memref<!tpu.dma_semaphore, #tpu.memory_space<semaphore_mem>>
        tpu.enqueue_indirect_dma source(%dma_start3A_382 : memref<16384x1024xf32, #tpu.memory_space<hbm>>) target(%dma_start3A_379 : memref<16x1024xf32, #tpu.memory_space<vmem>>) offsets(%add3A_343 : vector<16xi32>) semaphore(%dma_start3A_384 : memref<!tpu.dma_semaphore, #tpu.memory_space<semaphore_mem>>)
      } else {
      }
      %mul3A_193 = arith.constant 16 : i32
      %mul3A_194 = arith.muli %scan3A_144, %mul3A_193 : i32
      %add3A_195 = arith.addi %add3A_35, %mul3A_194 : i32
      %jit3A_196 = arith.constant 4 : i32
      %eq3A_197 = arith.constant 0 : i32
      %eq3A_198 = arith.cmpi eq, %jit3A_196, %eq3A_197 : i32
      %jit3A_199 = arith.constant 1 : i32
      %select_n3A_200 = arith.select %eq3A_198, %jit3A_199, %jit3A_196 : i32
      %rem3A_201 = arith.remsi %scan3A_144, %select_n3A_200 : i32
      %ne3A_202 = arith.constant 0 : i32
      %ne3A_203 = arith.cmpi ne, %rem3A_201, %ne3A_202 : i32
      %lt3A_204 = arith.constant 0 : i32
      %lt3A_205 = arith.cmpi slt, %rem3A_201, %lt3A_204 : i32
      %lt3A_206 = arith.constant 0 : i32
      %lt3A_207 = arith.cmpi slt, %select_n3A_200, %lt3A_206 : i32
      %ne3A_208 = arith.xori %lt3A_205, %lt3A_207 : i1
      %and3A_209 = arith.andi %ne3A_208, %ne3A_203 : i1
      %add3A_210 = arith.addi %rem3A_201, %select_n3A_200 : i32
      %select_n3A_211 = arith.select %and3A_209, %add3A_210, %rem3A_201 : i32
      %jit3A_212 = arith.constant 4 : i32
      %eq3A_213 = arith.constant 0 : i32
      %eq3A_214 = arith.cmpi eq, %jit3A_212, %eq3A_213 : i32
      %jit3A_215 = arith.constant 1 : i32
      %select_n3A_216 = arith.select %eq3A_214, %jit3A_215, %jit3A_212 : i32
      %rem3A_217 = arith.remsi %scan3A_144, %select_n3A_216 : i32
      %ne3A_218 = arith.constant 0 : i32
      %ne3A_219 = arith.cmpi ne, %rem3A_217, %ne3A_218 : i32
      %lt3A_220 = arith.constant 0 : i32
      %lt3A_221 = arith.cmpi slt, %rem3A_217, %lt3A_220 : i32
      %lt3A_222 = arith.constant 0 : i32
      %lt3A_223 = arith.cmpi slt, %select_n3A_216, %lt3A_222 : i32
      %ne3A_224 = arith.xori %lt3A_221, %lt3A_223 : i1
      %and3A_225 = arith.andi %ne3A_224, %ne3A_219 : i1
      %add3A_226 = arith.addi %rem3A_217, %select_n3A_216 : i32
      %select_n3A_227 = arith.select %and3A_225, %add3A_226, %rem3A_217 : i32
      %dma_wait3A_228 = arith.constant 0 : i32
      %dma_wait3A_229 = arith.constant 0 : i32
      %dma_wait3A_230 = tpu.memref_slice %arg6[%select_n3A_211, %dma_wait3A_228, %dma_wait3A_229] : memref<4x16x1024xf32, #tpu.memory_space<vmem>> -> memref<1x16x1024xf32, #tpu.memory_space<vmem>>
      %dma_wait3A_231 = tpu.memref_squeeze %dma_wait3A_230 : memref<1x16x1024xf32, #tpu.memory_space<vmem>> -> memref<16x1024xf32, #tpu.memory_space<vmem>>
      %dma_wait3A_232 = arith.constant 0 : i32
      %dma_wait3A_233 = tpu.memref_slice %arg2[%add3A_195, %dma_wait3A_232] : memref<16384x1024xf32, #tpu.memory_space<hbm>> -> memref<16x1024xf32, #tpu.memory_space<hbm>>
      %dma_wait3A_234 = tpu.memref_slice %arg9[%select_n3A_227] : memref<4x!tpu.dma_semaphore, #tpu.memory_space<semaphore_mem>> -> memref<1x!tpu.dma_semaphore, #tpu.memory_space<semaphore_mem>>
      %dma_wait3A_235 = tpu.memref_squeeze %dma_wait3A_234 : memref<1x!tpu.dma_semaphore, #tpu.memory_space<semaphore_mem>> -> memref<!tpu.dma_semaphore, #tpu.memory_space<semaphore_mem>>
      %dma_wait3A_236 = arith.constant 0 : i32
      %dma_wait3A_237 = arith.constant 0 : i32
      %dma_wait3A_238 = tpu.memref_slice %arg6[%select_n3A_211, %dma_wait3A_236, %dma_wait3A_237] : memref<4x16x1024xf32, #tpu.memory_space<vmem>> -> memref<1x16x1024xf32, #tpu.memory_space<vmem>>
      %dma_wait3A_239 = tpu.memref_squeeze %dma_wait3A_238 : memref<1x16x1024xf32, #tpu.memory_space<vmem>> -> memref<16x1024xf32, #tpu.memory_space<vmem>>
      %dma_wait3A_240 = arith.constant 0 : i32
      %dma_wait3A_241 = tpu.memref_slice %arg2[%add3A_195, %dma_wait3A_240] : memref<16384x1024xf32, #tpu.memory_space<hbm>> -> memref<16x1024xf32, #tpu.memory_space<hbm>>
      tpu.wait_dma2 semaphore(%dma_wait3A_235 : memref<!tpu.dma_semaphore, #tpu.memory_space<semaphore_mem>>) src(%dma_wait3A_241 : memref<16x1024xf32, #tpu.memory_space<hbm>>) dst(%dma_wait3A_239 : memref<16x1024xf32, #tpu.memory_space<vmem>>)
      %mul3A_242 = arith.constant 16 : i32
      %mul3A_243 = arith.muli %scan3A_144, %mul3A_242 : i32
      %add3A_244 = vector.broadcast %mul3A_243 : i32 to vector<16xi32>
      %add3A_245 = arith.addi %add3A_40, %add3A_244 : vector<16xi32>
      %jit3A_246 = arith.constant 3 : i32
      %eq3A_247 = arith.constant 0 : i32
      %eq3A_248 = arith.cmpi eq, %jit3A_246, %eq3A_247 : i32
      %jit3A_249 = arith.constant 1 : i32
      %select_n3A_250 = arith.select %eq3A_248, %jit3A_249, %jit3A_246 : i32
      %rem3A_251 = arith.remsi %scan3A_144, %select_n3A_250 : i32
      %ne3A_252 = arith.constant 0 : i32
      %ne3A_253 = arith.cmpi ne, %rem3A_251, %ne3A_252 : i32
      %lt3A_254 = arith.constant 0 : i32
      %lt3A_255 = arith.cmpi slt, %rem3A_251, %lt3A_254 : i32
      %lt3A_256 = arith.constant 0 : i32
      %lt3A_257 = arith.cmpi slt, %select_n3A_250, %lt3A_256 : i32
      %ne3A_258 = arith.xori %lt3A_255, %lt3A_257 : i1
      %and3A_259 = arith.andi %ne3A_258, %ne3A_253 : i1
      %add3A_260 = arith.addi %rem3A_251, %select_n3A_250 : i32
      %select_n3A_261 = arith.select %and3A_259, %add3A_260, %rem3A_251 : i32
      %jit3A_262 = arith.constant 3 : i32
      %eq3A_263 = arith.constant 0 : i32
      %eq3A_264 = arith.cmpi eq, %jit3A_262, %eq3A_263 : i32
      %jit3A_265 = arith.constant 1 : i32
      %select_n3A_266 = arith.select %eq3A_264, %jit3A_265, %jit3A_262 : i32
      %rem3A_267 = arith.remsi %scan3A_144, %select_n3A_266 : i32
      %ne3A_268 = arith.constant 0 : i32
      %ne3A_269 = arith.cmpi ne, %rem3A_267, %ne3A_268 : i32
      %lt3A_270 = arith.constant 0 : i32
      %lt3A_271 = arith.cmpi slt, %rem3A_267, %lt3A_270 : i32
      %lt3A_272 = arith.constant 0 : i32
      %lt3A_273 = arith.cmpi slt, %select_n3A_266, %lt3A_272 : i32
      %ne3A_274 = arith.xori %lt3A_271, %lt3A_273 : i1
      %and3A_275 = arith.andi %ne3A_274, %ne3A_269 : i1
      %add3A_276 = arith.addi %rem3A_267, %select_n3A_266 : i32
      %select_n3A_277 = arith.select %and3A_275, %add3A_276, %rem3A_267 : i32
      %dma_wait3A_278 = arith.constant 0 : i32
      %dma_wait3A_279 = arith.constant 0 : i32
      %dma_wait3A_280 = tpu.memref_slice %arg7[%select_n3A_261, %dma_wait3A_278, %dma_wait3A_279] : memref<3x16x1024xf32, #tpu.memory_space<vmem>> -> memref<1x16x1024xf32, #tpu.memory_space<vmem>>
      %dma_wait3A_281 = tpu.memref_squeeze %dma_wait3A_280 : memref<1x16x1024xf32, #tpu.memory_space<vmem>> -> memref<16x1024xf32, #tpu.memory_space<vmem>>
      %dma_wait3A_282 = arith.constant 0 : i32
      %dma_wait3A_283 = arith.constant 0 : i32
      %dma_wait3A_284 = tpu.memref_slice %arg4[%dma_wait3A_282, %dma_wait3A_283] : memref<16384x1024xf32, #tpu.memory_space<hbm>> -> memref<16384x1024xf32, #tpu.memory_space<hbm>>
      %dma_wait3A_285 = tpu.memref_slice %arg10[%select_n3A_277] : memref<3x!tpu.dma_semaphore, #tpu.memory_space<semaphore_mem>> -> memref<1x!tpu.dma_semaphore, #tpu.memory_space<semaphore_mem>>
      %dma_wait3A_286 = tpu.memref_squeeze %dma_wait3A_285 : memref<1x!tpu.dma_semaphore, #tpu.memory_space<semaphore_mem>> -> memref<!tpu.dma_semaphore, #tpu.memory_space<semaphore_mem>>
      tpu.wait_indirect_dma semaphore(%dma_wait3A_286 : memref<!tpu.dma_semaphore, #tpu.memory_space<semaphore_mem>>) src(%dma_wait3A_284 : memref<16384x1024xf32, #tpu.memory_space<hbm>>) dst(%dma_wait3A_281 : memref<16x1024xf32, #tpu.memory_space<vmem>>)
      %parallel_loop3A = arith.constant 0 : i32
      %parallel_loop3A_287 = arith.constant 16 : i32
      %parallel_loop3A_288 = arith.constant 1 : i32
      scf.for %parallel_loop3A_338 = %parallel_loop3A to %parallel_loop3A_287 step %parallel_loop3A_288  : i32 {
        %parallel_loop3A_339 = arith.index_cast %select_n3A_176 : i32 to index
        %parallel_loop3A_340 = arith.index_cast %parallel_loop3A_338 : i32 to index
        %parallel_loop3A_341 = arith.constant 0 : index
        %parallel_loop3A_342 = tpu.vector_load %arg7[%parallel_loop3A_339, %parallel_loop3A_340, %parallel_loop3A_341] {strides = array<i32>} : memref<3x16x1024xf32, #tpu.memory_space<vmem>>, vector<16xf32>,
        %parallel_loop3A_343 = arith.index_cast %select_n3A_160 : i32 to index
        %parallel_loop3A_344 = arith.index_cast %parallel_loop3A_338 : i32 to index
        %parallel_loop3A_345 = arith.constant 0 : index
        %parallel_loop3A_346 = tpu.vector_load %arg6[%parallel_loop3A_343, %parallel_loop3A_344, %parallel_loop3A_345] {strides = array<i32>} : memref<4x16x1024xf32, #tpu.memory_space<vmem>>, vector<16xf32>,
        tpu.vector_store %arg6[%parallel_loop3A_343, %parallel_loop3A_344, %parallel_loop3A_345], %parallel_loop3A_342 {add = true, strides = array<i32>} : memref<4x16x1024xf32, #tpu.memory_space<vmem>>, vector<16xf32>,
        %parallel_loop3A_347 = arith.index_cast %select_n3A_176 : i32 to index
        %parallel_loop3A_348 = arith.index_cast %parallel_loop3A_338 : i32 to index
        %parallel_loop3A_349 = arith.constant 16 : index
        %parallel_loop3A_350 = tpu.vector_load %arg7[%parallel_loop3A_347, %parallel_loop3A_348, %parallel_loop3A_349] {strides = array<i32>} : memref<3x16x1024xf32, #tpu.memory_space<vmem>>, vector<16xf32>,
        %parallel_loop3A_351 = arith.index_cast %select_n3A_160 : i32 to index
        %parallel_loop3A_352 = arith.index_cast %parallel_loop3A_338 : i32 to index
        %parallel_loop3A_353 = arith.constant 16 : index
        %parallel_loop3A_354 = tpu.vector_load %arg6[%parallel_loop3A_351, %parallel_loop3A_352, %parallel_loop3A_353] {strides = array<i32>} : memref<4x16x1024xf32, #tpu.memory_space<vmem>>, vector<16xf32>,
        tpu.vector_store %arg6[%parallel_loop3A_351, %parallel_loop3A_352, %parallel_loop3A_353], %parallel_loop3A_350 {add = true, strides = array<i32>} : memref<4x16x1024xf32, #tpu.memory_space<vmem>>, vector<16xf32>,
        %parallel_loop3A_355 = arith.index_cast %select_n3A_176 : i32 to index
        %parallel_loop3A_356 = arith.index_cast %parallel_loop3A_338 : i32 to index
        %parallel_loop3A_357 = arith.constant 32 : index
        %parallel_loop3A_358 = tpu.vector_load %arg7[%parallel_loop3A_355, %parallel_loop3A_356, %parallel_loop3A_357] {strides = array<i32>} : memref<3x16x1024xf32, #tpu.memory_space<vmem>>, vector<16xf32>,
        %parallel_loop3A_359 = arith.index_cast %select_n3A_160 : i32 to index
        %parallel_loop3A_360 = arith.index_cast %parallel_loop3A_338 : i32 to index
        %parallel_loop3A_361 = arith.constant 32 : index
        %parallel_loop3A_362 = tpu.vector_load %arg6[%parallel_loop3A_359, %parallel_loop3A_360, %parallel_loop3A_361] {strides = array<i32>} : memref<4x16x1024xf32, #tpu.memory_space<vmem>>, vector<16xf32>,
        tpu.vector_store %arg6[%parallel_loop3A_359, %parallel_loop3A_360, %parallel_loop3A_361], %parallel_loop3A_358 {add = true, strides = array<i32>} : memref<4x16x1024xf32, #tpu.memory_space<vmem>>, vector<16xf32>,
        %parallel_loop3A_363 = arith.index_cast %select_n3A_176 : i32 to index
        %parallel_loop3A_364 = arith.index_cast %parallel_loop3A_338 : i32 to index
        %parallel_loop3A_365 = arith.constant 48 : index
        %parallel_loop3A_366 = tpu.vector_load %arg7[%parallel_loop3A_363, %parallel_loop3A_364, %parallel_loop3A_365] {strides = array<i32>} : memref<3x16x1024xf32, #tpu.memory_space<vmem>>, vector<16xf32>,
        %parallel_loop3A_367 = arith.index_cast %select_n3A_160 : i32 to index
        %parallel_loop3A_368 = arith.index_cast %parallel_loop3A_338 : i32 to index
        %parallel_loop3A_369 = arith.constant 48 : index
        %parallel_loop3A_370 = tpu.vector_load %arg6[%parallel_loop3A_367, %parallel_loop3A_368, %parallel_loop3A_369] {strides = array<i32>} : memref<4x16x1024xf32, #tpu.memory_space<vmem>>, vector<16xf32>,
        tpu.vector_store %arg6[%parallel_loop3A_367, %parallel_loop3A_368, %parallel_loop3A_369], %parallel_loop3A_366 {add = true, strides = array<i32>} : memref<4x16x1024xf32, #tpu.memory_space<vmem>>, vector<16xf32>,
        %parallel_loop3A_371 = arith.index_cast %select_n3A_176 : i32 to index
        %parallel_loop3A_372 = arith.index_cast %parallel_loop3A_338 : i32 to index
        %parallel_loop3A_373 = arith.constant 64 : index
        %parallel_loop3A_374 = tpu.vector_load %arg7[%parallel_loop3A_371, %parallel_loop3A_372, %parallel_loop3A_373] {strides = array<i32>} : memref<3x16x1024xf32, #tpu.memory_space<vmem>>, vector<16xf32>,
        %parallel_loop3A_375 = arith.index_cast %select_n3A_160 : i32 to index
        %parallel_loop3A_376 = arith.index_cast %parallel_loop3A_338 : i32 to index
        %parallel_loop3A_377 = arith.constant 64 : index
        %parallel_loop3A_378 = tpu.vector_load %arg6[%parallel_loop3A_375, %parallel_loop3A_376, %parallel_loop3A_377] {strides = array<i32>} : memref<4x16x1024xf32, #tpu.memory_space<vmem>>, vector<16xf32>,
        tpu.vector_store %arg6[%parallel_loop3A_375, %parallel_loop3A_376, %parallel_loop3A_377], %parallel_loop3A_374 {add = true, strides = array<i32>} : memref<4x16x1024xf32, #tpu.memory_space<vmem>>, vector<16xf32>,
        %parallel_loop3A_379 = arith.index_cast %select_n3A_176 : i32 to index
        %parallel_loop3A_380 = arith.index_cast %parallel_loop3A_338 : i32 to index
        %parallel_loop3A_381 = arith.constant 80 : index
        %parallel_loop3A_382 = tpu.vector_load %arg7[%parallel_loop3A_379, %parallel_loop3A_380, %parallel_loop3A_381] {strides = array<i32>} : memref<3x16x1024xf32, #tpu.memory_space<vmem>>, vector<16xf32>,
        %parallel_loop3A_383 = arith.index_cast %select_n3A_160 : i32 to index
        %parallel_loop3A_384 = arith.index_cast %parallel_loop3A_338 : i32 to index
        %parallel_loop3A_385 = arith.constant 80 : index
        %parallel_loop3A_386 = tpu.vector_load %arg6[%parallel_loop3A_383, %parallel_loop3A_384, %parallel_loop3A_385] {strides = array<i32>} : memref<4x16x1024xf32, #tpu.memory_space<vmem>>, vector<16xf32>,
        tpu.vector_store %arg6[%parallel_loop3A_383, %parallel_loop3A_384, %parallel_loop3A_385], %parallel_loop3A_382 {add = true, strides = array<i32>} : memref<4x16x1024xf32, #tpu.memory_space<vmem>>, vector<16xf32>,
        %parallel_loop3A_387 = arith.index_cast %select_n3A_176 : i32 to index
        %parallel_loop3A_388 = arith.index_cast %parallel_loop3A_338 : i32 to index
        %parallel_loop3A_389 = arith.constant 96 : index
        %parallel_loop3A_390 = tpu.vector_load %arg7[%parallel_loop3A_387, %parallel_loop3A_388, %parallel_loop3A_389] {strides = array<i32>} : memref<3x16x1024xf32, #tpu.memory_space<vmem>>, vector<16xf32>,
        %parallel_loop3A_391 = arith.index_cast %select_n3A_160 : i32 to index
        %parallel_loop3A_392 = arith.index_cast %parallel_loop3A_338 : i32 to index
        %parallel_loop3A_393 = arith.constant 96 : index
        %parallel_loop3A_394 = tpu.vector_load %arg6[%parallel_loop3A_391, %parallel_loop3A_392, %parallel_loop3A_393] {strides = array<i32>} : memref<4x16x1024xf32, #tpu.memory_space<vmem>>, vector<16xf32>,
        tpu.vector_store %arg6[%parallel_loop3A_391, %parallel_loop3A_392, %parallel_loop3A_393], %parallel_loop3A_390 {add = true, strides = array<i32>} : memref<4x16x1024xf32, #tpu.memory_space<vmem>>, vector<16xf32>,
        %parallel_loop3A_395 = arith.index_cast %select_n3A_176 : i32 to index
        %parallel_loop3A_396 = arith.index_cast %parallel_loop3A_338 : i32 to index
        %parallel_loop3A_397 = arith.constant 112 : index
        %parallel_loop3A_398 = tpu.vector_load %arg7[%parallel_loop3A_395, %parallel_loop3A_396, %parallel_loop3A_397] {strides = array<i32>} : memref<3x16x1024xf32, #tpu.memory_space<vmem>>, vector<16xf32>,
        %parallel_loop3A_399 = arith.index_cast %select_n3A_160 : i32 to index
        %parallel_loop3A_400 = arith.index_cast %parallel_loop3A_338 : i32 to index
        %parallel_loop3A_401 = arith.constant 112 : index
        %parallel_loop3A_402 = tpu.vector_load %arg6[%parallel_loop3A_399, %parallel_loop3A_400, %parallel_loop3A_401] {strides = array<i32>} : memref<4x16x1024xf32, #tpu.memory_space<vmem>>, vector<16xf32>,
        tpu.vector_store %arg6[%parallel_loop3A_399, %parallel_loop3A_400, %parallel_loop3A_401], %parallel_loop3A_398 {add = true, strides = array<i32>} : memref<4x16x1024xf32, #tpu.memory_space<vmem>>, vector<16xf32>,
        %parallel_loop3A_403 = arith.index_cast %select_n3A_176 : i32 to index
        %parallel_loop3A_404 = arith.index_cast %parallel_loop3A_338 : i32 to index
        %parallel_loop3A_405 = arith.constant 128 : index
        %parallel_loop3A_406 = tpu.vector_load %arg7[%parallel_loop3A_403, %parallel_loop3A_404, %parallel_loop3A_405] {strides = array<i32>} : memref<3x16x1024xf32, #tpu.memory_space<vmem>>, vector<16xf32>,
        %parallel_loop3A_407 = arith.index_cast %select_n3A_160 : i32 to index
        %parallel_loop3A_408 = arith.index_cast %parallel_loop3A_338 : i32 to index
        %parallel_loop3A_409 = arith.constant 128 : index
        %parallel_loop3A_410 = tpu.vector_load %arg6[%parallel_loop3A_407, %parallel_loop3A_408, %parallel_loop3A_409] {strides = array<i32>} : memref<4x16x1024xf32, #tpu.memory_space<vmem>>, vector<16xf32>,
        tpu.vector_store %arg6[%parallel_loop3A_407, %parallel_loop3A_408, %parallel_loop3A_409], %parallel_loop3A_406 {add = true, strides = array<i32>} : memref<4x16x1024xf32, #tpu.memory_space<vmem>>, vector<16xf32>,
        %parallel_loop3A_411 = arith.index_cast %select_n3A_176 : i32 to index
        %parallel_loop3A_412 = arith.index_cast %parallel_loop3A_338 : i32 to index
        %parallel_loop3A_413 = arith.constant 144 : index
        %parallel_loop3A_414 = tpu.vector_load %arg7[%parallel_loop3A_411, %parallel_loop3A_412, %parallel_loop3A_413] {strides = array<i32>} : memref<3x16x1024xf32, #tpu.memory_space<vmem>>, vector<16xf32>,
        %parallel_loop3A_415 = arith.index_cast %select_n3A_160 : i32 to index
        %parallel_loop3A_416 = arith.index_cast %parallel_loop3A_338 : i32 to index
        %parallel_loop3A_417 = arith.constant 144 : index
        %parallel_loop3A_418 = tpu.vector_load %arg6[%parallel_loop3A_415, %parallel_loop3A_416, %parallel_loop3A_417] {strides = array<i32>} : memref<4x16x1024xf32, #tpu.memory_space<vmem>>, vector<16xf32>,
        tpu.vector_store %arg6[%parallel_loop3A_415, %parallel_loop3A_416, %parallel_loop3A_417], %parallel_loop3A_414 {add = true, strides = array<i32>} : memref<4x16x1024xf32, #tpu.memory_space<vmem>>, vector<16xf32>,
        %parallel_loop3A_419 = arith.index_cast %select_n3A_176 : i32 to index
        %parallel_loop3A_420 = arith.index_cast %parallel_loop3A_338 : i32 to index
        %parallel_loop3A_421 = arith.constant 160 : index
        %parallel_loop3A_422 = tpu.vector_load %arg7[%parallel_loop3A_419, %parallel_loop3A_420, %parallel_loop3A_421] {strides = array<i32>} : memref<3x16x1024xf32, #tpu.memory_space<vmem>>, vector<16xf32>,
        %parallel_loop3A_423 = arith.index_cast %select_n3A_160 : i32 to index
        %parallel_loop3A_424 = arith.index_cast %parallel_loop3A_338 : i32 to index
        %parallel_loop3A_425 = arith.constant 160 : index
        %parallel_loop3A_426 = tpu.vector_load %arg6[%parallel_loop3A_423, %parallel_loop3A_424, %parallel_loop3A_425] {strides = array<i32>} : memref<4x16x1024xf32, #tpu.memory_space<vmem>>, vector<16xf32>,
        tpu.vector_store %arg6[%parallel_loop3A_423, %parallel_loop3A_424, %parallel_loop3A_425], %parallel_loop3A_422 {add = true, strides = array<i32>} : memref<4x16x1024xf32, #tpu.memory_space<vmem>>, vector<16xf32>,
        %parallel_loop3A_427 = arith.index_cast %select_n3A_176 : i32 to index
        %parallel_loop3A_428 = arith.index_cast %parallel_loop3A_338 : i32 to index
        %parallel_loop3A_429 = arith.constant 176 : index
        %parallel_loop3A_430 = tpu.vector_load %arg7[%parallel_loop3A_427, %parallel_loop3A_428, %parallel_loop3A_429] {strides = array<i32>} : memref<3x16x1024xf32, #tpu.memory_space<vmem>>, vector<16xf32>,
        %parallel_loop3A_431 = arith.index_cast %select_n3A_160 : i32 to index
        %parallel_loop3A_432 = arith.index_cast %parallel_loop3A_338 : i32 to index
        %parallel_loop3A_433 = arith.constant 176 : index
        %parallel_loop3A_434 = tpu.vector_load %arg6[%parallel_loop3A_431, %parallel_loop3A_432, %parallel_loop3A_433] {strides = array<i32>} : memref<4x16x1024xf32, #tpu.memory_space<vmem>>, vector<16xf32>,
        tpu.vector_store %arg6[%parallel_loop3A_431, %parallel_loop3A_432, %parallel_loop3A_433], %parallel_loop3A_430 {add = true, strides = array<i32>} : memref<4x16x1024xf32, #tpu.memory_space<vmem>>, vector<16xf32>,
        %parallel_loop3A_435 = arith.index_cast %select_n3A_176 : i32 to index
        %parallel_loop3A_436 = arith.index_cast %parallel_loop3A_338 : i32 to index
        %parallel_loop3A_437 = arith.constant 192 : index
        %parallel_loop3A_438 = tpu.vector_load %arg7[%parallel_loop3A_435, %parallel_loop3A_436, %parallel_loop3A_437] {strides = array<i32>} : memref<3x16x1024xf32, #tpu.memory_space<vmem>>, vector<16xf32>,
        %parallel_loop3A_439 = arith.index_cast %select_n3A_160 : i32 to index
        %parallel_loop3A_440 = arith.index_cast %parallel_loop3A_338 : i32 to index
        %parallel_loop3A_441 = arith.constant 192 : index
        %parallel_loop3A_442 = tpu.vector_load %arg6[%parallel_loop3A_439, %parallel_loop3A_440, %parallel_loop3A_441] {strides = array<i32>} : memref<4x16x1024xf32, #tpu.memory_space<vmem>>, vector<16xf32>,
        tpu.vector_store %arg6[%parallel_loop3A_439, %parallel_loop3A_440, %parallel_loop3A_441], %parallel_loop3A_438 {add = true, strides = array<i32>} : memref<4x16x1024xf32, #tpu.memory_space<vmem>>, vector<16xf32>,
        %parallel_loop3A_443 = arith.index_cast %select_n3A_176 : i32 to index
        %parallel_loop3A_444 = arith.index_cast %parallel_loop3A_338 : i32 to index
        %parallel_loop3A_445 = arith.constant 208 : index
        %parallel_loop3A_446 = tpu.vector_load %arg7[%parallel_loop3A_443, %parallel_loop3A_444, %parallel_loop3A_445] {strides = array<i32>} : memref<3x16x1024xf32, #tpu.memory_space<vmem>>, vector<16xf32>,
        %parallel_loop3A_447 = arith.index_cast %select_n3A_160 : i32 to index
        %parallel_loop3A_448 = arith.index_cast %parallel_loop3A_338 : i32 to index
        %parallel_loop3A_449 = arith.constant 208 : index
        %parallel_loop3A_450 = tpu.vector_load %arg6[%parallel_loop3A_447, %parallel_loop3A_448, %parallel_loop3A_449] {strides = array<i32>} : memref<4x16x1024xf32, #tpu.memory_space<vmem>>, vector<16xf32>,
        tpu.vector_store %arg6[%parallel_loop3A_447, %parallel_loop3A_448, %parallel_loop3A_449], %parallel_loop3A_446 {add = true, strides = array<i32>} : memref<4x16x1024xf32, #tpu.memory_space<vmem>>, vector<16xf32>,
        %parallel_loop3A_451 = arith.index_cast %select_n3A_176 : i32 to index
        %parallel_loop3A_452 = arith.index_cast %parallel_loop3A_338 : i32 to index
        %parallel_loop3A_453 = arith.constant 224 : index
        %parallel_loop3A_454 = tpu.vector_load %arg7[%parallel_loop3A_451, %parallel_loop3A_452, %parallel_loop3A_453] {strides = array<i32>} : memref<3x16x1024xf32, #tpu.memory_space<vmem>>, vector<16xf32>,
        %parallel_loop3A_455 = arith.index_cast %select_n3A_160 : i32 to index
        %parallel_loop3A_456 = arith.index_cast %parallel_loop3A_338 : i32 to index
        %parallel_loop3A_457 = arith.constant 224 : index
        %parallel_loop3A_458 = tpu.vector_load %arg6[%parallel_loop3A_455, %parallel_loop3A_456, %parallel_loop3A_457] {strides = array<i32>} : memref<4x16x1024xf32, #tpu.memory_space<vmem>>, vector<16xf32>,
        tpu.vector_store %arg6[%parallel_loop3A_455, %parallel_loop3A_456, %parallel_loop3A_457], %parallel_loop3A_454 {add = true, strides = array<i32>} : memref<4x16x1024xf32, #tpu.memory_space<vmem>>, vector<16xf32>,
        %parallel_loop3A_459 = arith.index_cast %select_n3A_176 : i32 to index
        %parallel_loop3A_460 = arith.index_cast %parallel_loop3A_338 : i32 to index
        %parallel_loop3A_461 = arith.constant 240 : index
        %parallel_loop3A_462 = tpu.vector_load %arg7[%parallel_loop3A_459, %parallel_loop3A_460, %parallel_loop3A_461] {strides = array<i32>} : memref<3x16x1024xf32, #tpu.memory_space<vmem>>, vector<16xf32>,
        %parallel_loop3A_463 = arith.index_cast %select_n3A_160 : i32 to index
        %parallel_loop3A_464 = arith.index_cast %parallel_loop3A_338 : i32 to index
        %parallel_loop3A_465 = arith.constant 240 : index
        %parallel_loop3A_466 = tpu.vector_load %arg6[%parallel_loop3A_463, %parallel_loop3A_464, %parallel_loop3A_465] {strides = array<i32>} : memref<4x16x1024xf32, #tpu.memory_space<vmem>>, vector<16xf32>,
        tpu.vector_store %arg6[%parallel_loop3A_463, %parallel_loop3A_464, %parallel_loop3A_465], %parallel_loop3A_462 {add = true, strides = array<i32>} : memref<4x16x1024xf32, #tpu.memory_space<vmem>>, vector<16xf32>,
        %parallel_loop3A_467 = arith.index_cast %select_n3A_176 : i32 to index
        %parallel_loop3A_468 = arith.index_cast %parallel_loop3A_338 : i32 to index
        %parallel_loop3A_469 = arith.constant 256 : index
        %parallel_loop3A_470 = tpu.vector_load %arg7[%parallel_loop3A_467, %parallel_loop3A_468, %parallel_loop3A_469] {strides = array<i32>} : memref<3x16x1024xf32, #tpu.memory_space<vmem>>, vector<16xf32>,
        %parallel_loop3A_471 = arith.index_cast %select_n3A_160 : i32 to index
        %parallel_loop3A_472 = arith.index_cast %parallel_loop3A_338 : i32 to index
        %parallel_loop3A_473 = arith.constant 256 : index
        %parallel_loop3A_474 = tpu.vector_load %arg6[%parallel_loop3A_471, %parallel_loop3A_472, %parallel_loop3A_473] {strides = array<i32>} : memref<4x16x1024xf32, #tpu.memory_space<vmem>>, vector<16xf32>,
        tpu.vector_store %arg6[%parallel_loop3A_471, %parallel_loop3A_472, %parallel_loop3A_473], %parallel_loop3A_470 {add = true, strides = array<i32>} : memref<4x16x1024xf32, #tpu.memory_space<vmem>>, vector<16xf32>,
        %parallel_loop3A_475 = arith.index_cast %select_n3A_176 : i32 to index
        %parallel_loop3A_476 = arith.index_cast %parallel_loop3A_338 : i32 to index
        %parallel_loop3A_477 = arith.constant 272 : index
        %parallel_loop3A_478 = tpu.vector_load %arg7[%parallel_loop3A_475, %parallel_loop3A_476, %parallel_loop3A_477] {strides = array<i32>} : memref<3x16x1024xf32, #tpu.memory_space<vmem>>, vector<16xf32>,
        %parallel_loop3A_479 = arith.index_cast %select_n3A_160 : i32 to index
        %parallel_loop3A_480 = arith.index_cast %parallel_loop3A_338 : i32 to index
        %parallel_loop3A_481 = arith.constant 272 : index
        %parallel_loop3A_482 = tpu.vector_load %arg6[%parallel_loop3A_479, %parallel_loop3A_480, %parallel_loop3A_481] {strides = array<i32>} : memref<4x16x1024xf32, #tpu.memory_space<vmem>>, vector<16xf32>,
        tpu.vector_store %arg6[%parallel_loop3A_479, %parallel_loop3A_480, %parallel_loop3A_481], %parallel_loop3A_478 {add = true, strides = array<i32>} : memref<4x16x1024xf32, #tpu.memory_space<vmem>>, vector<16xf32>,
        %parallel_loop3A_483 = arith.index_cast %select_n3A_176 : i32 to index
        %parallel_loop3A_484 = arith.index_cast %parallel_loop3A_338 : i32 to index
        %parallel_loop3A_485 = arith.constant 288 : index
        %parallel_loop3A_486 = tpu.vector_load %arg7[%parallel_loop3A_483, %parallel_loop3A_484, %parallel_loop3A_485] {strides = array<i32>} : memref<3x16x1024xf32, #tpu.memory_space<vmem>>, vector<16xf32>,
        %parallel_loop3A_487 = arith.index_cast %select_n3A_160 : i32 to index
        %parallel_loop3A_488 = arith.index_cast %parallel_loop3A_338 : i32 to index
        %parallel_loop3A_489 = arith.constant 288 : index
        %parallel_loop3A_490 = tpu.vector_load %arg6[%parallel_loop3A_487, %parallel_loop3A_488, %parallel_loop3A_489] {strides = array<i32>} : memref<4x16x1024xf32, #tpu.memory_space<vmem>>, vector<16xf32>,
        tpu.vector_store %arg6[%parallel_loop3A_487, %parallel_loop3A_488, %parallel_loop3A_489], %parallel_loop3A_486 {add = true, strides = array<i32>} : memref<4x16x1024xf32, #tpu.memory_space<vmem>>, vector<16xf32>,
        %parallel_loop3A_491 = arith.index_cast %select_n3A_176 : i32 to index
        %parallel_loop3A_492 = arith.index_cast %parallel_loop3A_338 : i32 to index
        %parallel_loop3A_493 = arith.constant 304 : index
        %parallel_loop3A_494 = tpu.vector_load %arg7[%parallel_loop3A_491, %parallel_loop3A_492, %parallel_loop3A_493] {strides = array<i32>} : memref<3x16x1024xf32, #tpu.memory_space<vmem>>, vector<16xf32>,
        %parallel_loop3A_495 = arith.index_cast %select_n3A_160 : i32 to index
        %parallel_loop3A_496 = arith.index_cast %parallel_loop3A_338 : i32 to index
        %parallel_loop3A_497 = arith.constant 304 : index
        %parallel_loop3A_498 = tpu.vector_load %arg6[%parallel_loop3A_495, %parallel_loop3A_496, %parallel_loop3A_497] {strides = array<i32>} : memref<4x16x1024xf32, #tpu.memory_space<vmem>>, vector<16xf32>,
        tpu.vector_store %arg6[%parallel_loop3A_495, %parallel_loop3A_496, %parallel_loop3A_497], %parallel_loop3A_494 {add = true, strides = array<i32>} : memref<4x16x1024xf32, #tpu.memory_space<vmem>>, vector<16xf32>,
        %parallel_loop3A_499 = arith.index_cast %select_n3A_176 : i32 to index
        %parallel_loop3A_500 = arith.index_cast %parallel_loop3A_338 : i32 to index
        %parallel_loop3A_501 = arith.constant 320 : index
        %parallel_loop3A_502 = tpu.vector_load %arg7[%parallel_loop3A_499, %parallel_loop3A_500, %parallel_loop3A_501] {strides = array<i32>} : memref<3x16x1024xf32, #tpu.memory_space<vmem>>, vector<16xf32>,
        %parallel_loop3A_503 = arith.index_cast %select_n3A_160 : i32 to index
        %parallel_loop3A_504 = arith.index_cast %parallel_loop3A_338 : i32 to index
        %parallel_loop3A_505 = arith.constant 320 : index
        %parallel_loop3A_506 = tpu.vector_load %arg6[%parallel_loop3A_503, %parallel_loop3A_504, %parallel_loop3A_505] {strides = array<i32>} : memref<4x16x1024xf32, #tpu.memory_space<vmem>>, vector<16xf32>,
        tpu.vector_store %arg6[%parallel_loop3A_503, %parallel_loop3A_504, %parallel_loop3A_505], %parallel_loop3A_502 {add = true, strides = array<i32>} : memref<4x16x1024xf32, #tpu.memory_space<vmem>>, vector<16xf32>,
        %parallel_loop3A_507 = arith.index_cast %select_n3A_176 : i32 to index
        %parallel_loop3A_508 = arith.index_cast %parallel_loop3A_338 : i32 to index
        %parallel_loop3A_509 = arith.constant 336 : index
        %parallel_loop3A_510 = tpu.vector_load %arg7[%parallel_loop3A_507, %parallel_loop3A_508, %parallel_loop3A_509] {strides = array<i32>} : memref<3x16x1024xf32, #tpu.memory_space<vmem>>, vector<16xf32>,
        %parallel_loop3A_511 = arith.index_cast %select_n3A_160 : i32 to index
        %parallel_loop3A_512 = arith.index_cast %parallel_loop3A_338 : i32 to index
        %parallel_loop3A_513 = arith.constant 336 : index
        %parallel_loop3A_514 = tpu.vector_load %arg6[%parallel_loop3A_511, %parallel_loop3A_512, %parallel_loop3A_513] {strides = array<i32>} : memref<4x16x1024xf32, #tpu.memory_space<vmem>>, vector<16xf32>,
        tpu.vector_store %arg6[%parallel_loop3A_511, %parallel_loop3A_512, %parallel_loop3A_513], %parallel_loop3A_510 {add = true, strides = array<i32>} : memref<4x16x1024xf32, #tpu.memory_space<vmem>>, vector<16xf32>,
        %parallel_loop3A_515 = arith.index_cast %select_n3A_176 : i32 to index
        %parallel_loop3A_516 = arith.index_cast %parallel_loop3A_338 : i32 to index
        %parallel_loop3A_517 = arith.constant 352 : index
        %parallel_loop3A_518 = tpu.vector_load %arg7[%parallel_loop3A_515, %parallel_loop3A_516, %parallel_loop3A_517] {strides = array<i32>} : memref<3x16x1024xf32, #tpu.memory_space<vmem>>, vector<16xf32>,
        %parallel_loop3A_519 = arith.index_cast %select_n3A_160 : i32 to index
        %parallel_loop3A_520 = arith.index_cast %parallel_loop3A_338 : i32 to index
        %parallel_loop3A_521 = arith.constant 352 : index
        %parallel_loop3A_522 = tpu.vector_load %arg6[%parallel_loop3A_519, %parallel_loop3A_520, %parallel_loop3A_521] {strides = array<i32>} : memref<4x16x1024xf32, #tpu.memory_space<vmem>>, vector<16xf32>,
        tpu.vector_store %arg6[%parallel_loop3A_519, %parallel_loop3A_520, %parallel_loop3A_521], %parallel_loop3A_518 {add = true, strides = array<i32>} : memref<4x16x1024xf32, #tpu.memory_space<vmem>>, vector<16xf32>,
        %parallel_loop3A_523 = arith.index_cast %select_n3A_176 : i32 to index
        %parallel_loop3A_524 = arith.index_cast %parallel_loop3A_338 : i32 to index
        %parallel_loop3A_525 = arith.constant 368 : index
        %parallel_loop3A_526 = tpu.vector_load %arg7[%parallel_loop3A_523, %parallel_loop3A_524, %parallel_loop3A_525] {strides = array<i32>} : memref<3x16x1024xf32, #tpu.memory_space<vmem>>, vector<16xf32>,
        %parallel_loop3A_527 = arith.index_cast %select_n3A_160 : i32 to index
        %parallel_loop3A_528 = arith.index_cast %parallel_loop3A_338 : i32 to index
        %parallel_loop3A_529 = arith.constant 368 : index
        %parallel_loop3A_530 = tpu.vector_load %arg6[%parallel_loop3A_527, %parallel_loop3A_528, %parallel_loop3A_529] {strides = array<i32>} : memref<4x16x1024xf32, #tpu.memory_space<vmem>>, vector<16xf32>,
        tpu.vector_store %arg6[%parallel_loop3A_527, %parallel_loop3A_528, %parallel_loop3A_529], %parallel_loop3A_526 {add = true, strides = array<i32>} : memref<4x16x1024xf32, #tpu.memory_space<vmem>>, vector<16xf32>,
        %parallel_loop3A_531 = arith.index_cast %select_n3A_176 : i32 to index
        %parallel_loop3A_532 = arith.index_cast %parallel_loop3A_338 : i32 to index
        %parallel_loop3A_533 = arith.constant 384 : index
        %parallel_loop3A_534 = tpu.vector_load %arg7[%parallel_loop3A_531, %parallel_loop3A_532, %parallel_loop3A_533] {strides = array<i32>} : memref<3x16x1024xf32, #tpu.memory_space<vmem>>, vector<16xf32>,
        %parallel_loop3A_535 = arith.index_cast %select_n3A_160 : i32 to index
        %parallel_loop3A_536 = arith.index_cast %parallel_loop3A_338 : i32 to index
        %parallel_loop3A_537 = arith.constant 384 : index
        %parallel_loop3A_538 = tpu.vector_load %arg6[%parallel_loop3A_535, %parallel_loop3A_536, %parallel_loop3A_537] {strides = array<i32>} : memref<4x16x1024xf32, #tpu.memory_space<vmem>>, vector<16xf32>,
        tpu.vector_store %arg6[%parallel_loop3A_535, %parallel_loop3A_536, %parallel_loop3A_537], %parallel_loop3A_534 {add = true, strides = array<i32>} : memref<4x16x1024xf32, #tpu.memory_space<vmem>>, vector<16xf32>,
        %parallel_loop3A_539 = arith.index_cast %select_n3A_176 : i32 to index
        %parallel_loop3A_540 = arith.index_cast %parallel_loop3A_338 : i32 to index
        %parallel_loop3A_541 = arith.constant 400 : index
        %parallel_loop3A_542 = tpu.vector_load %arg7[%parallel_loop3A_539, %parallel_loop3A_540, %parallel_loop3A_541] {strides = array<i32>} : memref<3x16x1024xf32, #tpu.memory_space<vmem>>, vector<16xf32>,
        %parallel_loop3A_543 = arith.index_cast %select_n3A_160 : i32 to index
        %parallel_loop3A_544 = arith.index_cast %parallel_loop3A_338 : i32 to index
        %parallel_loop3A_545 = arith.constant 400 : index
        %parallel_loop3A_546 = tpu.vector_load %arg6[%parallel_loop3A_543, %parallel_loop3A_544, %parallel_loop3A_545] {strides = array<i32>} : memref<4x16x1024xf32, #tpu.memory_space<vmem>>, vector<16xf32>,
        tpu.vector_store %arg6[%parallel_loop3A_543, %parallel_loop3A_544, %parallel_loop3A_545], %parallel_loop3A_542 {add = true, strides = array<i32>} : memref<4x16x1024xf32, #tpu.memory_space<vmem>>, vector<16xf32>,
        %parallel_loop3A_547 = arith.index_cast %select_n3A_176 : i32 to index
        %parallel_loop3A_548 = arith.index_cast %parallel_loop3A_338 : i32 to index
        %parallel_loop3A_549 = arith.constant 416 : index
        %parallel_loop3A_550 = tpu.vector_load %arg7[%parallel_loop3A_547, %parallel_loop3A_548, %parallel_loop3A_549] {strides = array<i32>} : memref<3x16x1024xf32, #tpu.memory_space<vmem>>, vector<16xf32>,
        %parallel_loop3A_551 = arith.index_cast %select_n3A_160 : i32 to index
        %parallel_loop3A_552 = arith.index_cast %parallel_loop3A_338 : i32 to index
        %parallel_loop3A_553 = arith.constant 416 : index
        %parallel_loop3A_554 = tpu.vector_load %arg6[%parallel_loop3A_551, %parallel_loop3A_552, %parallel_loop3A_553] {strides = array<i32>} : memref<4x16x1024xf32, #tpu.memory_space<vmem>>, vector<16xf32>,
        tpu.vector_store %arg6[%parallel_loop3A_551, %parallel_loop3A_552, %parallel_loop3A_553], %parallel_loop3A_550 {add = true, strides = array<i32>} : memref<4x16x1024xf32, #tpu.memory_space<vmem>>, vector<16xf32>,
        %parallel_loop3A_555 = arith.index_cast %select_n3A_176 : i32 to index
        %parallel_loop3A_556 = arith.index_cast %parallel_loop3A_338 : i32 to index
        %parallel_loop3A_557 = arith.constant 432 : index
        %parallel_loop3A_558 = tpu.vector_load %arg7[%parallel_loop3A_555, %parallel_loop3A_556, %parallel_loop3A_557] {strides = array<i32>} : memref<3x16x1024xf32, #tpu.memory_space<vmem>>, vector<16xf32>,
        %parallel_loop3A_559 = arith.index_cast %select_n3A_160 : i32 to index
        %parallel_loop3A_560 = arith.index_cast %parallel_loop3A_338 : i32 to index
        %parallel_loop3A_561 = arith.constant 432 : index
        %parallel_loop3A_562 = tpu.vector_load %arg6[%parallel_loop3A_559, %parallel_loop3A_560, %parallel_loop3A_561] {strides = array<i32>} : memref<4x16x1024xf32, #tpu.memory_space<vmem>>, vector<16xf32>,
        tpu.vector_store %arg6[%parallel_loop3A_559, %parallel_loop3A_560, %parallel_loop3A_561], %parallel_loop3A_558 {add = true, strides = array<i32>} : memref<4x16x1024xf32, #tpu.memory_space<vmem>>, vector<16xf32>,
        %parallel_loop3A_563 = arith.index_cast %select_n3A_176 : i32 to index
        %parallel_loop3A_564 = arith.index_cast %parallel_loop3A_338 : i32 to index
        %parallel_loop3A_565 = arith.constant 448 : index
        %parallel_loop3A_566 = tpu.vector_load %arg7[%parallel_loop3A_563, %parallel_loop3A_564, %parallel_loop3A_565] {strides = array<i32>} : memref<3x16x1024xf32, #tpu.memory_space<vmem>>, vector<16xf32>,
        %parallel_loop3A_567 = arith.index_cast %select_n3A_160 : i32 to index
        %parallel_loop3A_568 = arith.index_cast %parallel_loop3A_338 : i32 to index
        %parallel_loop3A_569 = arith.constant 448 : index
        %parallel_loop3A_570 = tpu.vector_load %arg6[%parallel_loop3A_567, %parallel_loop3A_568, %parallel_loop3A_569] {strides = array<i32>} : memref<4x16x1024xf32, #tpu.memory_space<vmem>>, vector<16xf32>,
        tpu.vector_store %arg6[%parallel_loop3A_567, %parallel_loop3A_568, %parallel_loop3A_569], %parallel_loop3A_566 {add = true, strides = array<i32>} : memref<4x16x1024xf32, #tpu.memory_space<vmem>>, vector<16xf32>,
        %parallel_loop3A_571 = arith.index_cast %select_n3A_176 : i32 to index
        %parallel_loop3A_572 = arith.index_cast %parallel_loop3A_338 : i32 to index
        %parallel_loop3A_573 = arith.constant 464 : index
        %parallel_loop3A_574 = tpu.vector_load %arg7[%parallel_loop3A_571, %parallel_loop3A_572, %parallel_loop3A_573] {strides = array<i32>} : memref<3x16x1024xf32, #tpu.memory_space<vmem>>, vector<16xf32>,
        %parallel_loop3A_575 = arith.index_cast %select_n3A_160 : i32 to index
        %parallel_loop3A_576 = arith.index_cast %parallel_loop3A_338 : i32 to index
        %parallel_loop3A_577 = arith.constant 464 : index
        %parallel_loop3A_578 = tpu.vector_load %arg6[%parallel_loop3A_575, %parallel_loop3A_576, %parallel_loop3A_577] {strides = array<i32>} : memref<4x16x1024xf32, #tpu.memory_space<vmem>>, vector<16xf32>,
        tpu.vector_store %arg6[%parallel_loop3A_575, %parallel_loop3A_576, %parallel_loop3A_577], %parallel_loop3A_574 {add = true, strides = array<i32>} : memref<4x16x1024xf32, #tpu.memory_space<vmem>>, vector<16xf32>,
        %parallel_loop3A_579 = arith.index_cast %select_n3A_176 : i32 to index
        %parallel_loop3A_580 = arith.index_cast %parallel_loop3A_338 : i32 to index
        %parallel_loop3A_581 = arith.constant 480 : index
        %parallel_loop3A_582 = tpu.vector_load %arg7[%parallel_loop3A_579, %parallel_loop3A_580, %parallel_loop3A_581] {strides = array<i32>} : memref<3x16x1024xf32, #tpu.memory_space<vmem>>, vector<16xf32>,
        %parallel_loop3A_583 = arith.index_cast %select_n3A_160 : i32 to index
        %parallel_loop3A_584 = arith.index_cast %parallel_loop3A_338 : i32 to index
        %parallel_loop3A_585 = arith.constant 480 : index
        %parallel_loop3A_586 = tpu.vector_load %arg6[%parallel_loop3A_583, %parallel_loop3A_584, %parallel_loop3A_585] {strides = array<i32>} : memref<4x16x1024xf32, #tpu.memory_space<vmem>>, vector<16xf32>,
        tpu.vector_store %arg6[%parallel_loop3A_583, %parallel_loop3A_584, %parallel_loop3A_585], %parallel_loop3A_582 {add = true, strides = array<i32>} : memref<4x16x1024xf32, #tpu.memory_space<vmem>>, vector<16xf32>,
        %parallel_loop3A_587 = arith.index_cast %select_n3A_176 : i32 to index
        %parallel_loop3A_588 = arith.index_cast %parallel_loop3A_338 : i32 to index
        %parallel_loop3A_589 = arith.constant 496 : index
        %parallel_loop3A_590 = tpu.vector_load %arg7[%parallel_loop3A_587, %parallel_loop3A_588, %parallel_loop3A_589] {strides = array<i32>} : memref<3x16x1024xf32, #tpu.memory_space<vmem>>, vector<16xf32>,
        %parallel_loop3A_591 = arith.index_cast %select_n3A_160 : i32 to index
        %parallel_loop3A_592 = arith.index_cast %parallel_loop3A_338 : i32 to index
        %parallel_loop3A_593 = arith.constant 496 : index
        %parallel_loop3A_594 = tpu.vector_load %arg6[%parallel_loop3A_591, %parallel_loop3A_592, %parallel_loop3A_593] {strides = array<i32>} : memref<4x16x1024xf32, #tpu.memory_space<vmem>>, vector<16xf32>,
        tpu.vector_store %arg6[%parallel_loop3A_591, %parallel_loop3A_592, %parallel_loop3A_593], %parallel_loop3A_590 {add = true, strides = array<i32>} : memref<4x16x1024xf32, #tpu.memory_space<vmem>>, vector<16xf32>,
        %parallel_loop3A_595 = arith.index_cast %select_n3A_176 : i32 to index
        %parallel_loop3A_596 = arith.index_cast %parallel_loop3A_338 : i32 to index
        %parallel_loop3A_597 = arith.constant 512 : index
        %parallel_loop3A_598 = tpu.vector_load %arg7[%parallel_loop3A_595, %parallel_loop3A_596, %parallel_loop3A_597] {strides = array<i32>} : memref<3x16x1024xf32, #tpu.memory_space<vmem>>, vector<16xf32>,
        %parallel_loop3A_599 = arith.index_cast %select_n3A_160 : i32 to index
        %parallel_loop3A_600 = arith.index_cast %parallel_loop3A_338 : i32 to index
        %parallel_loop3A_601 = arith.constant 512 : index
        %parallel_loop3A_602 = tpu.vector_load %arg6[%parallel_loop3A_599, %parallel_loop3A_600, %parallel_loop3A_601] {strides = array<i32>} : memref<4x16x1024xf32, #tpu.memory_space<vmem>>, vector<16xf32>,
        tpu.vector_store %arg6[%parallel_loop3A_599, %parallel_loop3A_600, %parallel_loop3A_601], %parallel_loop3A_598 {add = true, strides = array<i32>} : memref<4x16x1024xf32, #tpu.memory_space<vmem>>, vector<16xf32>,
        %parallel_loop3A_603 = arith.index_cast %select_n3A_176 : i32 to index
        %parallel_loop3A_604 = arith.index_cast %parallel_loop3A_338 : i32 to index
        %parallel_loop3A_605 = arith.constant 528 : index
        %parallel_loop3A_606 = tpu.vector_load %arg7[%parallel_loop3A_603, %parallel_loop3A_604, %parallel_loop3A_605] {strides = array<i32>} : memref<3x16x1024xf32, #tpu.memory_space<vmem>>, vector<16xf32>,
        %parallel_loop3A_607 = arith.index_cast %select_n3A_160 : i32 to index
        %parallel_loop3A_608 = arith.index_cast %parallel_loop3A_338 : i32 to index
        %parallel_loop3A_609 = arith.constant 528 : index
        %parallel_loop3A_610 = tpu.vector_load %arg6[%parallel_loop3A_607, %parallel_loop3A_608, %parallel_loop3A_609] {strides = array<i32>} : memref<4x16x1024xf32, #tpu.memory_space<vmem>>, vector<16xf32>,
        tpu.vector_store %arg6[%parallel_loop3A_607, %parallel_loop3A_608, %parallel_loop3A_609], %parallel_loop3A_606 {add = true, strides = array<i32>} : memref<4x16x1024xf32, #tpu.memory_space<vmem>>, vector<16xf32>,
        %parallel_loop3A_611 = arith.index_cast %select_n3A_176 : i32 to index
        %parallel_loop3A_612 = arith.index_cast %parallel_loop3A_338 : i32 to index
        %parallel_loop3A_613 = arith.constant 544 : index
        %parallel_loop3A_614 = tpu.vector_load %arg7[%parallel_loop3A_611, %parallel_loop3A_612, %parallel_loop3A_613] {strides = array<i32>} : memref<3x16x1024xf32, #tpu.memory_space<vmem>>, vector<16xf32>,
        %parallel_loop3A_615 = arith.index_cast %select_n3A_160 : i32 to index
        %parallel_loop3A_616 = arith.index_cast %parallel_loop3A_338 : i32 to index
        %parallel_loop3A_617 = arith.constant 544 : index
        %parallel_loop3A_618 = tpu.vector_load %arg6[%parallel_loop3A_615, %parallel_loop3A_616, %parallel_loop3A_617] {strides = array<i32>} : memref<4x16x1024xf32, #tpu.memory_space<vmem>>, vector<16xf32>,
        tpu.vector_store %arg6[%parallel_loop3A_615, %parallel_loop3A_616, %parallel_loop3A_617], %parallel_loop3A_614 {add = true, strides = array<i32>} : memref<4x16x1024xf32, #tpu.memory_space<vmem>>, vector<16xf32>,
        %parallel_loop3A_619 = arith.index_cast %select_n3A_176 : i32 to index
        %parallel_loop3A_620 = arith.index_cast %parallel_loop3A_338 : i32 to index
        %parallel_loop3A_621 = arith.constant 560 : index
        %parallel_loop3A_622 = tpu.vector_load %arg7[%parallel_loop3A_619, %parallel_loop3A_620, %parallel_loop3A_621] {strides = array<i32>} : memref<3x16x1024xf32, #tpu.memory_space<vmem>>, vector<16xf32>,
        %parallel_loop3A_623 = arith.index_cast %select_n3A_160 : i32 to index
        %parallel_loop3A_624 = arith.index_cast %parallel_loop3A_338 : i32 to index
        %parallel_loop3A_625 = arith.constant 560 : index
        %parallel_loop3A_626 = tpu.vector_load %arg6[%parallel_loop3A_623, %parallel_loop3A_624, %parallel_loop3A_625] {strides = array<i32>} : memref<4x16x1024xf32, #tpu.memory_space<vmem>>, vector<16xf32>,
        tpu.vector_store %arg6[%parallel_loop3A_623, %parallel_loop3A_624, %parallel_loop3A_625], %parallel_loop3A_622 {add = true, strides = array<i32>} : memref<4x16x1024xf32, #tpu.memory_space<vmem>>, vector<16xf32>,
        %parallel_loop3A_627 = arith.index_cast %select_n3A_176 : i32 to index
        %parallel_loop3A_628 = arith.index_cast %parallel_loop3A_338 : i32 to index
        %parallel_loop3A_629 = arith.constant 576 : index
        %parallel_loop3A_630 = tpu.vector_load %arg7[%parallel_loop3A_627, %parallel_loop3A_628, %parallel_loop3A_629] {strides = array<i32>} : memref<3x16x1024xf32, #tpu.memory_space<vmem>>, vector<16xf32>,
        %parallel_loop3A_631 = arith.index_cast %select_n3A_160 : i32 to index
        %parallel_loop3A_632 = arith.index_cast %parallel_loop3A_338 : i32 to index
        %parallel_loop3A_633 = arith.constant 576 : index
        %parallel_loop3A_634 = tpu.vector_load %arg6[%parallel_loop3A_631, %parallel_loop3A_632, %parallel_loop3A_633] {strides = array<i32>} : memref<4x16x1024xf32, #tpu.memory_space<vmem>>, vector<16xf32>,
        tpu.vector_store %arg6[%parallel_loop3A_631, %parallel_loop3A_632, %parallel_loop3A_633], %parallel_loop3A_630 {add = true, strides = array<i32>} : memref<4x16x1024xf32, #tpu.memory_space<vmem>>, vector<16xf32>,
        %parallel_loop3A_635 = arith.index_cast %select_n3A_176 : i32 to index
        %parallel_loop3A_636 = arith.index_cast %parallel_loop3A_338 : i32 to index
        %parallel_loop3A_637 = arith.constant 592 : index
        %parallel_loop3A_638 = tpu.vector_load %arg7[%parallel_loop3A_635, %parallel_loop3A_636, %parallel_loop3A_637] {strides = array<i32>} : memref<3x16x1024xf32, #tpu.memory_space<vmem>>, vector<16xf32>,
        %parallel_loop3A_639 = arith.index_cast %select_n3A_160 : i32 to index
        %parallel_loop3A_640 = arith.index_cast %parallel_loop3A_338 : i32 to index
        %parallel_loop3A_641 = arith.constant 592 : index
        %parallel_loop3A_642 = tpu.vector_load %arg6[%parallel_loop3A_639, %parallel_loop3A_640, %parallel_loop3A_641] {strides = array<i32>} : memref<4x16x1024xf32, #tpu.memory_space<vmem>>, vector<16xf32>,
        tpu.vector_store %arg6[%parallel_loop3A_639, %parallel_loop3A_640, %parallel_loop3A_641], %parallel_loop3A_638 {add = true, strides = array<i32>} : memref<4x16x1024xf32, #tpu.memory_space<vmem>>, vector<16xf32>,
        %parallel_loop3A_643 = arith.index_cast %select_n3A_176 : i32 to index
        %parallel_loop3A_644 = arith.index_cast %parallel_loop3A_338 : i32 to index
        %parallel_loop3A_645 = arith.constant 608 : index
        %parallel_loop3A_646 = tpu.vector_load %arg7[%parallel_loop3A_643, %parallel_loop3A_644, %parallel_loop3A_645] {strides = array<i32>} : memref<3x16x1024xf32, #tpu.memory_space<vmem>>, vector<16xf32>,
        %parallel_loop3A_647 = arith.index_cast %select_n3A_160 : i32 to index
        %parallel_loop3A_648 = arith.index_cast %parallel_loop3A_338 : i32 to index
        %parallel_loop3A_649 = arith.constant 608 : index
        %parallel_loop3A_650 = tpu.vector_load %arg6[%parallel_loop3A_647, %parallel_loop3A_648, %parallel_loop3A_649] {strides = array<i32>} : memref<4x16x1024xf32, #tpu.memory_space<vmem>>, vector<16xf32>,
        tpu.vector_store %arg6[%parallel_loop3A_647, %parallel_loop3A_648, %parallel_loop3A_649], %parallel_loop3A_646 {add = true, strides = array<i32>} : memref<4x16x1024xf32, #tpu.memory_space<vmem>>, vector<16xf32>,
        %parallel_loop3A_651 = arith.index_cast %select_n3A_176 : i32 to index
        %parallel_loop3A_652 = arith.index_cast %parallel_loop3A_338 : i32 to index
        %parallel_loop3A_653 = arith.constant 624 : index
        %parallel_loop3A_654 = tpu.vector_load %arg7[%parallel_loop3A_651, %parallel_loop3A_652, %parallel_loop3A_653] {strides = array<i32>} : memref<3x16x1024xf32, #tpu.memory_space<vmem>>, vector<16xf32>,
        %parallel_loop3A_655 = arith.index_cast %select_n3A_160 : i32 to index
        %parallel_loop3A_656 = arith.index_cast %parallel_loop3A_338 : i32 to index
        %parallel_loop3A_657 = arith.constant 624 : index
        %parallel_loop3A_658 = tpu.vector_load %arg6[%parallel_loop3A_655, %parallel_loop3A_656, %parallel_loop3A_657] {strides = array<i32>} : memref<4x16x1024xf32, #tpu.memory_space<vmem>>, vector<16xf32>,
        tpu.vector_store %arg6[%parallel_loop3A_655, %parallel_loop3A_656, %parallel_loop3A_657], %parallel_loop3A_654 {add = true, strides = array<i32>} : memref<4x16x1024xf32, #tpu.memory_space<vmem>>, vector<16xf32>,
        %parallel_loop3A_659 = arith.index_cast %select_n3A_176 : i32 to index
        %parallel_loop3A_660 = arith.index_cast %parallel_loop3A_338 : i32 to index
        %parallel_loop3A_661 = arith.constant 640 : index
        %parallel_loop3A_662 = tpu.vector_load %arg7[%parallel_loop3A_659, %parallel_loop3A_660, %parallel_loop3A_661] {strides = array<i32>} : memref<3x16x1024xf32, #tpu.memory_space<vmem>>, vector<16xf32>,
        %parallel_loop3A_663 = arith.index_cast %select_n3A_160 : i32 to index
        %parallel_loop3A_664 = arith.index_cast %parallel_loop3A_338 : i32 to index
        %parallel_loop3A_665 = arith.constant 640 : index
        %parallel_loop3A_666 = tpu.vector_load %arg6[%parallel_loop3A_663, %parallel_loop3A_664, %parallel_loop3A_665] {strides = array<i32>} : memref<4x16x1024xf32, #tpu.memory_space<vmem>>, vector<16xf32>,
        tpu.vector_store %arg6[%parallel_loop3A_663, %parallel_loop3A_664, %parallel_loop3A_665], %parallel_loop3A_662 {add = true, strides = array<i32>} : memref<4x16x1024xf32, #tpu.memory_space<vmem>>, vector<16xf32>,
        %parallel_loop3A_667 = arith.index_cast %select_n3A_176 : i32 to index
        %parallel_loop3A_668 = arith.index_cast %parallel_loop3A_338 : i32 to index
        %parallel_loop3A_669 = arith.constant 656 : index
        %parallel_loop3A_670 = tpu.vector_load %arg7[%parallel_loop3A_667, %parallel_loop3A_668, %parallel_loop3A_669] {strides = array<i32>} : memref<3x16x1024xf32, #tpu.memory_space<vmem>>, vector<16xf32>,
        %parallel_loop3A_671 = arith.index_cast %select_n3A_160 : i32 to index
        %parallel_loop3A_672 = arith.index_cast %parallel_loop3A_338 : i32 to index
        %parallel_loop3A_673 = arith.constant 656 : index
        %parallel_loop3A_674 = tpu.vector_load %arg6[%parallel_loop3A_671, %parallel_loop3A_672, %parallel_loop3A_673] {strides = array<i32>} : memref<4x16x1024xf32, #tpu.memory_space<vmem>>, vector<16xf32>,
        tpu.vector_store %arg6[%parallel_loop3A_671, %parallel_loop3A_672, %parallel_loop3A_673], %parallel_loop3A_670 {add = true, strides = array<i32>} : memref<4x16x1024xf32, #tpu.memory_space<vmem>>, vector<16xf32>,
        %parallel_loop3A_675 = arith.index_cast %select_n3A_176 : i32 to index
        %parallel_loop3A_676 = arith.index_cast %parallel_loop3A_338 : i32 to index
        %parallel_loop3A_677 = arith.constant 672 : index
        %parallel_loop3A_678 = tpu.vector_load %arg7[%parallel_loop3A_675, %parallel_loop3A_676, %parallel_loop3A_677] {strides = array<i32>} : memref<3x16x1024xf32, #tpu.memory_space<vmem>>, vector<16xf32>,
        %parallel_loop3A_679 = arith.index_cast %select_n3A_160 : i32 to index
        %parallel_loop3A_680 = arith.index_cast %parallel_loop3A_338 : i32 to index
        %parallel_loop3A_681 = arith.constant 672 : index
        %parallel_loop3A_682 = tpu.vector_load %arg6[%parallel_loop3A_679, %parallel_loop3A_680, %parallel_loop3A_681] {strides = array<i32>} : memref<4x16x1024xf32, #tpu.memory_space<vmem>>, vector<16xf32>,
        tpu.vector_store %arg6[%parallel_loop3A_679, %parallel_loop3A_680, %parallel_loop3A_681], %parallel_loop3A_678 {add = true, strides = array<i32>} : memref<4x16x1024xf32, #tpu.memory_space<vmem>>, vector<16xf32>,
        %parallel_loop3A_683 = arith.index_cast %select_n3A_176 : i32 to index
        %parallel_loop3A_684 = arith.index_cast %parallel_loop3A_338 : i32 to index
        %parallel_loop3A_685 = arith.constant 688 : index
        %parallel_loop3A_686 = tpu.vector_load %arg7[%parallel_loop3A_683, %parallel_loop3A_684, %parallel_loop3A_685] {strides = array<i32>} : memref<3x16x1024xf32, #tpu.memory_space<vmem>>, vector<16xf32>,
        %parallel_loop3A_687 = arith.index_cast %select_n3A_160 : i32 to index
        %parallel_loop3A_688 = arith.index_cast %parallel_loop3A_338 : i32 to index
        %parallel_loop3A_689 = arith.constant 688 : index
        %parallel_loop3A_690 = tpu.vector_load %arg6[%parallel_loop3A_687, %parallel_loop3A_688, %parallel_loop3A_689] {strides = array<i32>} : memref<4x16x1024xf32, #tpu.memory_space<vmem>>, vector<16xf32>,
        tpu.vector_store %arg6[%parallel_loop3A_687, %parallel_loop3A_688, %parallel_loop3A_689], %parallel_loop3A_686 {add = true, strides = array<i32>} : memref<4x16x1024xf32, #tpu.memory_space<vmem>>, vector<16xf32>,
        %parallel_loop3A_691 = arith.index_cast %select_n3A_176 : i32 to index
        %parallel_loop3A_692 = arith.index_cast %parallel_loop3A_338 : i32 to index
        %parallel_loop3A_693 = arith.constant 704 : index
        %parallel_loop3A_694 = tpu.vector_load %arg7[%parallel_loop3A_691, %parallel_loop3A_692, %parallel_loop3A_693] {strides = array<i32>} : memref<3x16x1024xf32, #tpu.memory_space<vmem>>, vector<16xf32>,
        %parallel_loop3A_695 = arith.index_cast %select_n3A_160 : i32 to index
        %parallel_loop3A_696 = arith.index_cast %parallel_loop3A_338 : i32 to index
        %parallel_loop3A_697 = arith.constant 704 : index
        %parallel_loop3A_698 = tpu.vector_load %arg6[%parallel_loop3A_695, %parallel_loop3A_696, %parallel_loop3A_697] {strides = array<i32>} : memref<4x16x1024xf32, #tpu.memory_space<vmem>>, vector<16xf32>,
        tpu.vector_store %arg6[%parallel_loop3A_695, %parallel_loop3A_696, %parallel_loop3A_697], %parallel_loop3A_694 {add = true, strides = array<i32>} : memref<4x16x1024xf32, #tpu.memory_space<vmem>>, vector<16xf32>,
        %parallel_loop3A_699 = arith.index_cast %select_n3A_176 : i32 to index
        %parallel_loop3A_700 = arith.index_cast %parallel_loop3A_338 : i32 to index
        %parallel_loop3A_701 = arith.constant 720 : index
        %parallel_loop3A_702 = tpu.vector_load %arg7[%parallel_loop3A_699, %parallel_loop3A_700, %parallel_loop3A_701] {strides = array<i32>} : memref<3x16x1024xf32, #tpu.memory_space<vmem>>, vector<16xf32>,
        %parallel_loop3A_703 = arith.index_cast %select_n3A_160 : i32 to index
        %parallel_loop3A_704 = arith.index_cast %parallel_loop3A_338 : i32 to index
        %parallel_loop3A_705 = arith.constant 720 : index
        %parallel_loop3A_706 = tpu.vector_load %arg6[%parallel_loop3A_703, %parallel_loop3A_704, %parallel_loop3A_705] {strides = array<i32>} : memref<4x16x1024xf32, #tpu.memory_space<vmem>>, vector<16xf32>,
        tpu.vector_store %arg6[%parallel_loop3A_703, %parallel_loop3A_704, %parallel_loop3A_705], %parallel_loop3A_702 {add = true, strides = array<i32>} : memref<4x16x1024xf32, #tpu.memory_space<vmem>>, vector<16xf32>,
        %parallel_loop3A_707 = arith.index_cast %select_n3A_176 : i32 to index
        %parallel_loop3A_708 = arith.index_cast %parallel_loop3A_338 : i32 to index
        %parallel_loop3A_709 = arith.constant 736 : index
        %parallel_loop3A_710 = tpu.vector_load %arg7[%parallel_loop3A_707, %parallel_loop3A_708, %parallel_loop3A_709] {strides = array<i32>} : memref<3x16x1024xf32, #tpu.memory_space<vmem>>, vector<16xf32>,
        %parallel_loop3A_711 = arith.index_cast %select_n3A_160 : i32 to index
        %parallel_loop3A_712 = arith.index_cast %parallel_loop3A_338 : i32 to index
        %parallel_loop3A_713 = arith.constant 736 : index
        %parallel_loop3A_714 = tpu.vector_load %arg6[%parallel_loop3A_711, %parallel_loop3A_712, %parallel_loop3A_713] {strides = array<i32>} : memref<4x16x1024xf32, #tpu.memory_space<vmem>>, vector<16xf32>,
        tpu.vector_store %arg6[%parallel_loop3A_711, %parallel_loop3A_712, %parallel_loop3A_713], %parallel_loop3A_710 {add = true, strides = array<i32>} : memref<4x16x1024xf32, #tpu.memory_space<vmem>>, vector<16xf32>,
        %parallel_loop3A_715 = arith.index_cast %select_n3A_176 : i32 to index
        %parallel_loop3A_716 = arith.index_cast %parallel_loop3A_338 : i32 to index
        %parallel_loop3A_717 = arith.constant 752 : index
        %parallel_loop3A_718 = tpu.vector_load %arg7[%parallel_loop3A_715, %parallel_loop3A_716, %parallel_loop3A_717] {strides = array<i32>} : memref<3x16x1024xf32, #tpu.memory_space<vmem>>, vector<16xf32>,
        %parallel_loop3A_719 = arith.index_cast %select_n3A_160 : i32 to index
        %parallel_loop3A_720 = arith.index_cast %parallel_loop3A_338 : i32 to index
        %parallel_loop3A_721 = arith.constant 752 : index
        %parallel_loop3A_722 = tpu.vector_load %arg6[%parallel_loop3A_719, %parallel_loop3A_720, %parallel_loop3A_721] {strides = array<i32>} : memref<4x16x1024xf32, #tpu.memory_space<vmem>>, vector<16xf32>,
        tpu.vector_store %arg6[%parallel_loop3A_719, %parallel_loop3A_720, %parallel_loop3A_721], %parallel_loop3A_718 {add = true, strides = array<i32>} : memref<4x16x1024xf32, #tpu.memory_space<vmem>>, vector<16xf32>,
        %parallel_loop3A_723 = arith.index_cast %select_n3A_176 : i32 to index
        %parallel_loop3A_724 = arith.index_cast %parallel_loop3A_338 : i32 to index
        %parallel_loop3A_725 = arith.constant 768 : index
        %parallel_loop3A_726 = tpu.vector_load %arg7[%parallel_loop3A_723, %parallel_loop3A_724, %parallel_loop3A_725] {strides = array<i32>} : memref<3x16x1024xf32, #tpu.memory_space<vmem>>, vector<16xf32>,
        %parallel_loop3A_727 = arith.index_cast %select_n3A_160 : i32 to index
        %parallel_loop3A_728 = arith.index_cast %parallel_loop3A_338 : i32 to index
        %parallel_loop3A_729 = arith.constant 768 : index
        %parallel_loop3A_730 = tpu.vector_load %arg6[%parallel_loop3A_727, %parallel_loop3A_728, %parallel_loop3A_729] {strides = array<i32>} : memref<4x16x1024xf32, #tpu.memory_space<vmem>>, vector<16xf32>,
        tpu.vector_store %arg6[%parallel_loop3A_727, %parallel_loop3A_728, %parallel_loop3A_729], %parallel_loop3A_726 {add = true, strides = array<i32>} : memref<4x16x1024xf32, #tpu.memory_space<vmem>>, vector<16xf32>,
        %parallel_loop3A_731 = arith.index_cast %select_n3A_176 : i32 to index
        %parallel_loop3A_732 = arith.index_cast %parallel_loop3A_338 : i32 to index
        %parallel_loop3A_733 = arith.constant 784 : index
        %parallel_loop3A_734 = tpu.vector_load %arg7[%parallel_loop3A_731, %parallel_loop3A_732, %parallel_loop3A_733] {strides = array<i32>} : memref<3x16x1024xf32, #tpu.memory_space<vmem>>, vector<16xf32>,
        %parallel_loop3A_735 = arith.index_cast %select_n3A_160 : i32 to index
        %parallel_loop3A_736 = arith.index_cast %parallel_loop3A_338 : i32 to index
        %parallel_loop3A_737 = arith.constant 784 : index
        %parallel_loop3A_738 = tpu.vector_load %arg6[%parallel_loop3A_735, %parallel_loop3A_736, %parallel_loop3A_737] {strides = array<i32>} : memref<4x16x1024xf32, #tpu.memory_space<vmem>>, vector<16xf32>,
        tpu.vector_store %arg6[%parallel_loop3A_735, %parallel_loop3A_736, %parallel_loop3A_737], %parallel_loop3A_734 {add = true, strides = array<i32>} : memref<4x16x1024xf32, #tpu.memory_space<vmem>>, vector<16xf32>,
        %parallel_loop3A_739 = arith.index_cast %select_n3A_176 : i32 to index
        %parallel_loop3A_740 = arith.index_cast %parallel_loop3A_338 : i32 to index
        %parallel_loop3A_741 = arith.constant 800 : index
        %parallel_loop3A_742 = tpu.vector_load %arg7[%parallel_loop3A_739, %parallel_loop3A_740, %parallel_loop3A_741] {strides = array<i32>} : memref<3x16x1024xf32, #tpu.memory_space<vmem>>, vector<16xf32>,
        %parallel_loop3A_743 = arith.index_cast %select_n3A_160 : i32 to index
        %parallel_loop3A_744 = arith.index_cast %parallel_loop3A_338 : i32 to index
        %parallel_loop3A_745 = arith.constant 800 : index
        %parallel_loop3A_746 = tpu.vector_load %arg6[%parallel_loop3A_743, %parallel_loop3A_744, %parallel_loop3A_745] {strides = array<i32>} : memref<4x16x1024xf32, #tpu.memory_space<vmem>>, vector<16xf32>,
        tpu.vector_store %arg6[%parallel_loop3A_743, %parallel_loop3A_744, %parallel_loop3A_745], %parallel_loop3A_742 {add = true, strides = array<i32>} : memref<4x16x1024xf32, #tpu.memory_space<vmem>>, vector<16xf32>,
        %parallel_loop3A_747 = arith.index_cast %select_n3A_176 : i32 to index
        %parallel_loop3A_748 = arith.index_cast %parallel_loop3A_338 : i32 to index
        %parallel_loop3A_749 = arith.constant 816 : index
        %parallel_loop3A_750 = tpu.vector_load %arg7[%parallel_loop3A_747, %parallel_loop3A_748, %parallel_loop3A_749] {strides = array<i32>} : memref<3x16x1024xf32, #tpu.memory_space<vmem>>, vector<16xf32>,
        %parallel_loop3A_751 = arith.index_cast %select_n3A_160 : i32 to index
        %parallel_loop3A_752 = arith.index_cast %parallel_loop3A_338 : i32 to index
        %parallel_loop3A_753 = arith.constant 816 : index
        %parallel_loop3A_754 = tpu.vector_load %arg6[%parallel_loop3A_751, %parallel_loop3A_752, %parallel_loop3A_753] {strides = array<i32>} : memref<4x16x1024xf32, #tpu.memory_space<vmem>>, vector<16xf32>,
        tpu.vector_store %arg6[%parallel_loop3A_751, %parallel_loop3A_752, %parallel_loop3A_753], %parallel_loop3A_750 {add = true, strides = array<i32>} : memref<4x16x1024xf32, #tpu.memory_space<vmem>>, vector<16xf32>,
        %parallel_loop3A_755 = arith.index_cast %select_n3A_176 : i32 to index
        %parallel_loop3A_756 = arith.index_cast %parallel_loop3A_338 : i32 to index
        %parallel_loop3A_757 = arith.constant 832 : index
        %parallel_loop3A_758 = tpu.vector_load %arg7[%parallel_loop3A_755, %parallel_loop3A_756, %parallel_loop3A_757] {strides = array<i32>} : memref<3x16x1024xf32, #tpu.memory_space<vmem>>, vector<16xf32>,
        %parallel_loop3A_759 = arith.index_cast %select_n3A_160 : i32 to index
        %parallel_loop3A_760 = arith.index_cast %parallel_loop3A_338 : i32 to index
        %parallel_loop3A_761 = arith.constant 832 : index
        %parallel_loop3A_762 = tpu.vector_load %arg6[%parallel_loop3A_759, %parallel_loop3A_760, %parallel_loop3A_761] {strides = array<i32>} : memref<4x16x1024xf32, #tpu.memory_space<vmem>>, vector<16xf32>,
        tpu.vector_store %arg6[%parallel_loop3A_759, %parallel_loop3A_760, %parallel_loop3A_761], %parallel_loop3A_758 {add = true, strides = array<i32>} : memref<4x16x1024xf32, #tpu.memory_space<vmem>>, vector<16xf32>,
        %parallel_loop3A_763 = arith.index_cast %select_n3A_176 : i32 to index
        %parallel_loop3A_764 = arith.index_cast %parallel_loop3A_338 : i32 to index
        %parallel_loop3A_765 = arith.constant 848 : index
        %parallel_loop3A_766 = tpu.vector_load %arg7[%parallel_loop3A_763, %parallel_loop3A_764, %parallel_loop3A_765] {strides = array<i32>} : memref<3x16x1024xf32, #tpu.memory_space<vmem>>, vector<16xf32>,
        %parallel_loop3A_767 = arith.index_cast %select_n3A_160 : i32 to index
        %parallel_loop3A_768 = arith.index_cast %parallel_loop3A_338 : i32 to index
        %parallel_loop3A_769 = arith.constant 848 : index
        %parallel_loop3A_770 = tpu.vector_load %arg6[%parallel_loop3A_767, %parallel_loop3A_768, %parallel_loop3A_769] {strides = array<i32>} : memref<4x16x1024xf32, #tpu.memory_space<vmem>>, vector<16xf32>,
        tpu.vector_store %arg6[%parallel_loop3A_767, %parallel_loop3A_768, %parallel_loop3A_769], %parallel_loop3A_766 {add = true, strides = array<i32>} : memref<4x16x1024xf32, #tpu.memory_space<vmem>>, vector<16xf32>,
        %parallel_loop3A_771 = arith.index_cast %select_n3A_176 : i32 to index
        %parallel_loop3A_772 = arith.index_cast %parallel_loop3A_338 : i32 to index
        %parallel_loop3A_773 = arith.constant 864 : index
        %parallel_loop3A_774 = tpu.vector_load %arg7[%parallel_loop3A_771, %parallel_loop3A_772, %parallel_loop3A_773] {strides = array<i32>} : memref<3x16x1024xf32, #tpu.memory_space<vmem>>, vector<16xf32>,
        %parallel_loop3A_775 = arith.index_cast %select_n3A_160 : i32 to index
        %parallel_loop3A_776 = arith.index_cast %parallel_loop3A_338 : i32 to index
        %parallel_loop3A_777 = arith.constant 864 : index
        %parallel_loop3A_778 = tpu.vector_load %arg6[%parallel_loop3A_775, %parallel_loop3A_776, %parallel_loop3A_777] {strides = array<i32>} : memref<4x16x1024xf32, #tpu.memory_space<vmem>>, vector<16xf32>,
        tpu.vector_store %arg6[%parallel_loop3A_775, %parallel_loop3A_776, %parallel_loop3A_777], %parallel_loop3A_774 {add = true, strides = array<i32>} : memref<4x16x1024xf32, #tpu.memory_space<vmem>>, vector<16xf32>,
        %parallel_loop3A_779 = arith.index_cast %select_n3A_176 : i32 to index
        %parallel_loop3A_780 = arith.index_cast %parallel_loop3A_338 : i32 to index
        %parallel_loop3A_781 = arith.constant 880 : index
        %parallel_loop3A_782 = tpu.vector_load %arg7[%parallel_loop3A_779, %parallel_loop3A_780, %parallel_loop3A_781] {strides = array<i32>} : memref<3x16x1024xf32, #tpu.memory_space<vmem>>, vector<16xf32>,
        %parallel_loop3A_783 = arith.index_cast %select_n3A_160 : i32 to index
        %parallel_loop3A_784 = arith.index_cast %parallel_loop3A_338 : i32 to index
        %parallel_loop3A_785 = arith.constant 880 : index
        %parallel_loop3A_786 = tpu.vector_load %arg6[%parallel_loop3A_783, %parallel_loop3A_784, %parallel_loop3A_785] {strides = array<i32>} : memref<4x16x1024xf32, #tpu.memory_space<vmem>>, vector<16xf32>,
        tpu.vector_store %arg6[%parallel_loop3A_783, %parallel_loop3A_784, %parallel_loop3A_785], %parallel_loop3A_782 {add = true, strides = array<i32>} : memref<4x16x1024xf32, #tpu.memory_space<vmem>>, vector<16xf32>,
        %parallel_loop3A_787 = arith.index_cast %select_n3A_176 : i32 to index
        %parallel_loop3A_788 = arith.index_cast %parallel_loop3A_338 : i32 to index
        %parallel_loop3A_789 = arith.constant 896 : index
        %parallel_loop3A_790 = tpu.vector_load %arg7[%parallel_loop3A_787, %parallel_loop3A_788, %parallel_loop3A_789] {strides = array<i32>} : memref<3x16x1024xf32, #tpu.memory_space<vmem>>, vector<16xf32>,
        %parallel_loop3A_791 = arith.index_cast %select_n3A_160 : i32 to index
        %parallel_loop3A_792 = arith.index_cast %parallel_loop3A_338 : i32 to index
        %parallel_loop3A_793 = arith.constant 896 : index
        %parallel_loop3A_794 = tpu.vector_load %arg6[%parallel_loop3A_791, %parallel_loop3A_792, %parallel_loop3A_793] {strides = array<i32>} : memref<4x16x1024xf32, #tpu.memory_space<vmem>>, vector<16xf32>,
        tpu.vector_store %arg6[%parallel_loop3A_791, %parallel_loop3A_792, %parallel_loop3A_793], %parallel_loop3A_790 {add = true, strides = array<i32>} : memref<4x16x1024xf32, #tpu.memory_space<vmem>>, vector<16xf32>,
        %parallel_loop3A_795 = arith.index_cast %select_n3A_176 : i32 to index
        %parallel_loop3A_796 = arith.index_cast %parallel_loop3A_338 : i32 to index
        %parallel_loop3A_797 = arith.constant 912 : index
        %parallel_loop3A_798 = tpu.vector_load %arg7[%parallel_loop3A_795, %parallel_loop3A_796, %parallel_loop3A_797] {strides = array<i32>} : memref<3x16x1024xf32, #tpu.memory_space<vmem>>, vector<16xf32>,
        %parallel_loop3A_799 = arith.index_cast %select_n3A_160 : i32 to index
        %parallel_loop3A_800 = arith.index_cast %parallel_loop3A_338 : i32 to index
        %parallel_loop3A_801 = arith.constant 912 : index
        %parallel_loop3A_802 = tpu.vector_load %arg6[%parallel_loop3A_799, %parallel_loop3A_800, %parallel_loop3A_801] {strides = array<i32>} : memref<4x16x1024xf32, #tpu.memory_space<vmem>>, vector<16xf32>,
        tpu.vector_store %arg6[%parallel_loop3A_799, %parallel_loop3A_800, %parallel_loop3A_801], %parallel_loop3A_798 {add = true, strides = array<i32>} : memref<4x16x1024xf32, #tpu.memory_space<vmem>>, vector<16xf32>,
        %parallel_loop3A_803 = arith.index_cast %select_n3A_176 : i32 to index
        %parallel_loop3A_804 = arith.index_cast %parallel_loop3A_338 : i32 to index
        %parallel_loop3A_805 = arith.constant 928 : index
        %parallel_loop3A_806 = tpu.vector_load %arg7[%parallel_loop3A_803, %parallel_loop3A_804, %parallel_loop3A_805] {strides = array<i32>} : memref<3x16x1024xf32, #tpu.memory_space<vmem>>, vector<16xf32>,
        %parallel_loop3A_807 = arith.index_cast %select_n3A_160 : i32 to index
        %parallel_loop3A_808 = arith.index_cast %parallel_loop3A_338 : i32 to index
        %parallel_loop3A_809 = arith.constant 928 : index
        %parallel_loop3A_810 = tpu.vector_load %arg6[%parallel_loop3A_807, %parallel_loop3A_808, %parallel_loop3A_809] {strides = array<i32>} : memref<4x16x1024xf32, #tpu.memory_space<vmem>>, vector<16xf32>,
        tpu.vector_store %arg6[%parallel_loop3A_807, %parallel_loop3A_808, %parallel_loop3A_809], %parallel_loop3A_806 {add = true, strides = array<i32>} : memref<4x16x1024xf32, #tpu.memory_space<vmem>>, vector<16xf32>,
        %parallel_loop3A_811 = arith.index_cast %select_n3A_176 : i32 to index
        %parallel_loop3A_812 = arith.index_cast %parallel_loop3A_338 : i32 to index
        %parallel_loop3A_813 = arith.constant 944 : index
        %parallel_loop3A_814 = tpu.vector_load %arg7[%parallel_loop3A_811, %parallel_loop3A_812, %parallel_loop3A_813] {strides = array<i32>} : memref<3x16x1024xf32, #tpu.memory_space<vmem>>, vector<16xf32>,
        %parallel_loop3A_815 = arith.index_cast %select_n3A_160 : i32 to index
        %parallel_loop3A_816 = arith.index_cast %parallel_loop3A_338 : i32 to index
        %parallel_loop3A_817 = arith.constant 944 : index
        %parallel_loop3A_818 = tpu.vector_load %arg6[%parallel_loop3A_815, %parallel_loop3A_816, %parallel_loop3A_817] {strides = array<i32>} : memref<4x16x1024xf32, #tpu.memory_space<vmem>>, vector<16xf32>,
        tpu.vector_store %arg6[%parallel_loop3A_815, %parallel_loop3A_816, %parallel_loop3A_817], %parallel_loop3A_814 {add = true, strides = array<i32>} : memref<4x16x1024xf32, #tpu.memory_space<vmem>>, vector<16xf32>,
        %parallel_loop3A_819 = arith.index_cast %select_n3A_176 : i32 to index
        %parallel_loop3A_820 = arith.index_cast %parallel_loop3A_338 : i32 to index
        %parallel_loop3A_821 = arith.constant 960 : index
        %parallel_loop3A_822 = tpu.vector_load %arg7[%parallel_loop3A_819, %parallel_loop3A_820, %parallel_loop3A_821] {strides = array<i32>} : memref<3x16x1024xf32, #tpu.memory_space<vmem>>, vector<16xf32>,
        %parallel_loop3A_823 = arith.index_cast %select_n3A_160 : i32 to index
        %parallel_loop3A_824 = arith.index_cast %parallel_loop3A_338 : i32 to index
        %parallel_loop3A_825 = arith.constant 960 : index
        %parallel_loop3A_826 = tpu.vector_load %arg6[%parallel_loop3A_823, %parallel_loop3A_824, %parallel_loop3A_825] {strides = array<i32>} : memref<4x16x1024xf32, #tpu.memory_space<vmem>>, vector<16xf32>,
        tpu.vector_store %arg6[%parallel_loop3A_823, %parallel_loop3A_824, %parallel_loop3A_825], %parallel_loop3A_822 {add = true, strides = array<i32>} : memref<4x16x1024xf32, #tpu.memory_space<vmem>>, vector<16xf32>,
        %parallel_loop3A_827 = arith.index_cast %select_n3A_176 : i32 to index
        %parallel_loop3A_828 = arith.index_cast %parallel_loop3A_338 : i32 to index
        %parallel_loop3A_829 = arith.constant 976 : index
        %parallel_loop3A_830 = tpu.vector_load %arg7[%parallel_loop3A_827, %parallel_loop3A_828, %parallel_loop3A_829] {strides = array<i32>} : memref<3x16x1024xf32, #tpu.memory_space<vmem>>, vector<16xf32>,
        %parallel_loop3A_831 = arith.index_cast %select_n3A_160 : i32 to index
        %parallel_loop3A_832 = arith.index_cast %parallel_loop3A_338 : i32 to index
        %parallel_loop3A_833 = arith.constant 976 : index
        %parallel_loop3A_834 = tpu.vector_load %arg6[%parallel_loop3A_831, %parallel_loop3A_832, %parallel_loop3A_833] {strides = array<i32>} : memref<4x16x1024xf32, #tpu.memory_space<vmem>>, vector<16xf32>,
        tpu.vector_store %arg6[%parallel_loop3A_831, %parallel_loop3A_832, %parallel_loop3A_833], %parallel_loop3A_830 {add = true, strides = array<i32>} : memref<4x16x1024xf32, #tpu.memory_space<vmem>>, vector<16xf32>,
        %parallel_loop3A_835 = arith.index_cast %select_n3A_176 : i32 to index
        %parallel_loop3A_836 = arith.index_cast %parallel_loop3A_338 : i32 to index
        %parallel_loop3A_837 = arith.constant 992 : index
        %parallel_loop3A_838 = tpu.vector_load %arg7[%parallel_loop3A_835, %parallel_loop3A_836, %parallel_loop3A_837] {strides = array<i32>} : memref<3x16x1024xf32, #tpu.memory_space<vmem>>, vector<16xf32>,
        %parallel_loop3A_839 = arith.index_cast %select_n3A_160 : i32 to index
        %parallel_loop3A_840 = arith.index_cast %parallel_loop3A_338 : i32 to index
        %parallel_loop3A_841 = arith.constant 992 : index
        %parallel_loop3A_842 = tpu.vector_load %arg6[%parallel_loop3A_839, %parallel_loop3A_840, %parallel_loop3A_841] {strides = array<i32>} : memref<4x16x1024xf32, #tpu.memory_space<vmem>>, vector<16xf32>,
        tpu.vector_store %arg6[%parallel_loop3A_839, %parallel_loop3A_840, %parallel_loop3A_841], %parallel_loop3A_838 {add = true, strides = array<i32>} : memref<4x16x1024xf32, #tpu.memory_space<vmem>>, vector<16xf32>,
        %parallel_loop3A_843 = arith.index_cast %select_n3A_176 : i32 to index
        %parallel_loop3A_844 = arith.index_cast %parallel_loop3A_338 : i32 to index
        %parallel_loop3A_845 = arith.constant 1008 : index
        %parallel_loop3A_846 = tpu.vector_load %arg7[%parallel_loop3A_843, %parallel_loop3A_844, %parallel_loop3A_845] {strides = array<i32>} : memref<3x16x1024xf32, #tpu.memory_space<vmem>>, vector<16xf32>,
        %parallel_loop3A_847 = arith.index_cast %select_n3A_160 : i32 to index
        %parallel_loop3A_848 = arith.index_cast %parallel_loop3A_338 : i32 to index
        %parallel_loop3A_849 = arith.constant 1008 : index
        %parallel_loop3A_850 = tpu.vector_load %arg6[%parallel_loop3A_847, %parallel_loop3A_848, %parallel_loop3A_849] {strides = array<i32>} : memref<4x16x1024xf32, #tpu.memory_space<vmem>>, vector<16xf32>,
        tpu.vector_store %arg6[%parallel_loop3A_847, %parallel_loop3A_848, %parallel_loop3A_849], %parallel_loop3A_846 {add = true, strides = array<i32>} : memref<4x16x1024xf32, #tpu.memory_space<vmem>>, vector<16xf32>,
      } {sc.loop_unroll_factor = 1 : i64, sc.parallel_access}
      %jit3A_289 = arith.constant 4 : i32
      %eq3A_290 = arith.constant 0 : i32
      %eq3A_291 = arith.cmpi eq, %jit3A_289, %eq3A_290 : i32
      %jit3A_292 = arith.constant 1 : i32
      %select_n3A_293 = arith.select %eq3A_291, %jit3A_292, %jit3A_289 : i32
      %rem3A_294 = arith.remsi %scan3A_144, %select_n3A_293 : i32
      %ne3A_295 = arith.constant 0 : i32
      %ne3A_296 = arith.cmpi ne, %rem3A_294, %ne3A_295 : i32
      %lt3A_297 = arith.constant 0 : i32
      %lt3A_298 = arith.cmpi slt, %rem3A_294, %lt3A_297 : i32
      %lt3A_299 = arith.constant 0 : i32
      %lt3A_300 = arith.cmpi slt, %select_n3A_293, %lt3A_299 : i32
      %ne3A_301 = arith.xori %lt3A_298, %lt3A_300 : i1
      %and3A_302 = arith.andi %ne3A_301, %ne3A_296 : i1
      %add3A_303 = arith.addi %rem3A_294, %select_n3A_293 : i32
      %select_n3A_304 = arith.select %and3A_302, %add3A_303, %rem3A_294 : i32
      %mul3A_305 = arith.constant 16 : i32
      %mul3A_306 = arith.muli %scan3A_144, %mul3A_305 : i32
      %add3A_307 = arith.addi %add3A_35, %mul3A_306 : i32
      %jit3A_308 = arith.constant 4 : i32
      %eq3A_309 = arith.constant 0 : i32
      %eq3A_310 = arith.cmpi eq, %jit3A_308, %eq3A_309 : i32
      %jit3A_311 = arith.constant 1 : i32
      %select_n3A_312 = arith.select %eq3A_310, %jit3A_311, %jit3A_308 : i32
      %rem3A_313 = arith.remsi %scan3A_144, %select_n3A_312 : i32
      %ne3A_314 = arith.constant 0 : i32
      %ne3A_315 = arith.cmpi ne, %rem3A_313, %ne3A_314 : i32
      %lt3A_316 = arith.constant 0 : i32
      %lt3A_317 = arith.cmpi slt, %rem3A_313, %lt3A_316 : i32
      %lt3A_318 = arith.constant 0 : i32
      %lt3A_319 = arith.cmpi slt, %select_n3A_312, %lt3A_318 : i32
      %ne3A_320 = arith.xori %lt3A_317, %lt3A_319 : i1
      %and3A_321 = arith.andi %ne3A_320, %ne3A_315 : i1
      %add3A_322 = arith.addi %rem3A_313, %select_n3A_312 : i32
      %select_n3A_323 = arith.select %and3A_321, %add3A_322, %rem3A_313 : i32
      %dma_start3A_324 = arith.constant 0 : i32
      %dma_start3A_325 = arith.constant 0 : i32
      %dma_start3A_326 = tpu.memref_slice %arg6[%select_n3A_304, %dma_start3A_324, %dma_start3A_325] : memref<4x16x1024xf32, #tpu.memory_space<vmem>> -> memref<1x16x1024xf32, #tpu.memory_space<vmem>>
      %dma_start3A_327 = tpu.memref_squeeze %dma_start3A_326 : memref<1x16x1024xf32, #tpu.memory_space<vmem>> -> memref<16x1024xf32, #tpu.memory_space<vmem>>
      %dma_start3A_328 = arith.constant 0 : i32
      %dma_start3A_329 = tpu.memref_slice %arg5[%add3A_307, %dma_start3A_328] : memref<16384x1024xf32, #tpu.memory_space<hbm>> -> memref<16x1024xf32, #tpu.memory_space<hbm>>
      %dma_start3A_330 = tpu.memref_slice %arg11[%select_n3A_323] : memref<4x!tpu.dma_semaphore, #tpu.memory_space<semaphore_mem>> -> memref<1x!tpu.dma_semaphore, #tpu.memory_space<semaphore_mem>>
      %dma_start3A_331 = tpu.memref_squeeze %dma_start3A_330 : memref<1x!tpu.dma_semaphore, #tpu.memory_space<semaphore_mem>> -> memref<!tpu.dma_semaphore, #tpu.memory_space<semaphore_mem>>
      %dma_start3A_332 = arith.constant 0 : i32
      %dma_start3A_333 = tpu.memref_slice %arg5[%add3A_307, %dma_start3A_332] : memref<16384x1024xf32, #tpu.memory_space<hbm>> -> memref<16x1024xf32, #tpu.memory_space<hbm>>
      %dma_start3A_334 = arith.constant 0 : i32
      %dma_start3A_335 = arith.constant 0 : i32
      %dma_start3A_336 = tpu.memref_slice %arg6[%select_n3A_304, %dma_start3A_334, %dma_start3A_335] : memref<4x16x1024xf32, #tpu.memory_space<vmem>> -> memref<1x16x1024xf32, #tpu.memory_space<vmem>>
      %dma_start3A_337 = tpu.memref_squeeze %dma_start3A_336 : memref<1x16x1024xf32, #tpu.memory_space<vmem>> -> memref<16x1024xf32, #tpu.memory_space<vmem>>
      tpu.enqueue_dma source(%dma_start3A_337 : memref<16x1024xf32, #tpu.memory_space<vmem>>) target(%dma_start3A_333 : memref<16x1024xf32, #tpu.memory_space<hbm>>) target_semaphore(%dma_start3A_331 : memref<!tpu.dma_semaphore, #tpu.memory_space<semaphore_mem>>)
    }
    %scan3A_90 = arith.constant 32 : i32
    %add3A_91 = arith.constant 496 : i32
    %add3A_92 = arith.addi %add3A_35, %add3A_91 : i32
    %dma_wait3A = arith.constant 3 : i32
    %dma_wait3A_93 = arith.constant 3 : i32
    %dma_wait3A_94 = arith.constant 0 : i32
    %dma_wait3A_95 = arith.constant 0 : i32
    %dma_wait3A_96 = tpu.memref_slice %arg6[%dma_wait3A, %dma_wait3A_94, %dma_wait3A_95] : memref<4x16x1024xf32, #tpu.memory_space<vmem>> -> memref<1x16x1024xf32, #tpu.memory_space<vmem>>
    %dma_wait3A_97 = tpu.memref_squeeze %dma_wait3A_96 : memref<1x16x1024xf32, #tpu.memory_space<vmem>> -> memref<16x1024xf32, #tpu.memory_space<vmem>>
    %dma_wait3A_98 = arith.constant 0 : i32
    %dma_wait3A_99 = tpu.memref_slice %arg5[%add3A_92, %dma_wait3A_98] : memref<16384x1024xf32, #tpu.memory_space<hbm>> -> memref<16x1024xf32, #tpu.memory_space<hbm>>
    %dma_wait3A_100 = tpu.memref_slice %arg11[%dma_wait3A_93] : memref<4x!tpu.dma_semaphore, #tpu.memory_space<semaphore_mem>> -> memref<1x!tpu.dma_semaphore, #tpu.memory_space<semaphore_mem>>
    %dma_wait3A_101 = tpu.memref_squeeze %dma_wait3A_100 : memref<1x!tpu.dma_semaphore, #tpu.memory_space<semaphore_mem>> -> memref<!tpu.dma_semaphore, #tpu.memory_space<semaphore_mem>>
    %dma_wait3A_102 = arith.constant 0 : i32
    %dma_wait3A_103 = tpu.memref_slice %arg5[%add3A_92, %dma_wait3A_102] : memref<16384x1024xf32, #tpu.memory_space<hbm>> -> memref<16x1024xf32, #tpu.memory_space<hbm>>
    %dma_wait3A_104 = arith.constant 0 : i32
    %dma_wait3A_105 = arith.constant 0 : i32
    %dma_wait3A_106 = tpu.memref_slice %arg6[%dma_wait3A, %dma_wait3A_104, %dma_wait3A_105] : memref<4x16x1024xf32, #tpu.memory_space<vmem>> -> memref<1x16x1024xf32, #tpu.memory_space<vmem>>
    %dma_wait3A_107 = tpu.memref_squeeze %dma_wait3A_106 : memref<1x16x1024xf32, #tpu.memory_space<vmem>> -> memref<16x1024xf32, #tpu.memory_space<vmem>>
    tpu.wait_dma2 semaphore(%dma_wait3A_101 : memref<!tpu.dma_semaphore, #tpu.memory_space<semaphore_mem>>) src(%dma_wait3A_107 : memref<16x1024xf32, #tpu.memory_space<vmem>>) dst(%dma_wait3A_103 : memref<16x1024xf32, #tpu.memory_space<hbm>>)
    %add3A_108 = arith.constant 480 : i32
    %add3A_109 = arith.addi %add3A_35, %add3A_108 : i32
    %dma_wait3A_110 = arith.constant 2 : i32
    %dma_wait3A_111 = arith.constant 2 : i32
    %dma_wait3A_112 = arith.constant 0 : i32
    %dma_wait3A_113 = arith.constant 0 : i32
    %dma_wait3A_114 = tpu.memref_slice %arg6[%dma_wait3A_110, %dma_wait3A_112, %dma_wait3A_113] : memref<4x16x1024xf32, #tpu.memory_space<vmem>> -> memref<1x16x1024xf32, #tpu.memory_space<vmem>>
    %dma_wait3A_115 = tpu.memref_squeeze %dma_wait3A_114 : memref<1x16x1024xf32, #tpu.memory_space<vmem>> -> memref<16x1024xf32, #tpu.memory_space<vmem>>
    %dma_wait3A_116 = arith.constant 0 : i32
    %dma_wait3A_117 = tpu.memref_slice %arg5[%add3A_109, %dma_wait3A_116] : memref<16384x1024xf32, #tpu.memory_space<hbm>> -> memref<16x1024xf32, #tpu.memory_space<hbm>>
    %dma_wait3A_118 = tpu.memref_slice %arg11[%dma_wait3A_111] : memref<4x!tpu.dma_semaphore, #tpu.memory_space<semaphore_mem>> -> memref<1x!tpu.dma_semaphore, #tpu.memory_space<semaphore_mem>>
    %dma_wait3A_119 = tpu.memref_squeeze %dma_wait3A_118 : memref<1x!tpu.dma_semaphore, #tpu.memory_space<semaphore_mem>> -> memref<!tpu.dma_semaphore, #tpu.memory_space<semaphore_mem>>
    %dma_wait3A_120 = arith.constant 0 : i32
    %dma_wait3A_121 = tpu.memref_slice %arg5[%add3A_109, %dma_wait3A_120] : memref<16384x1024xf32, #tpu.memory_space<hbm>> -> memref<16x1024xf32, #tpu.memory_space<hbm>>
    %dma_wait3A_122 = arith.constant 0 : i32
    %dma_wait3A_123 = arith.constant 0 : i32
    %dma_wait3A_124 = tpu.memref_slice %arg6[%dma_wait3A_110, %dma_wait3A_122, %dma_wait3A_123] : memref<4x16x1024xf32, #tpu.memory_space<vmem>> -> memref<1x16x1024xf32, #tpu.memory_space<vmem>>
    %dma_wait3A_125 = tpu.memref_squeeze %dma_wait3A_124 : memref<1x16x1024xf32, #tpu.memory_space<vmem>> -> memref<16x1024xf32, #tpu.memory_space<vmem>>
    tpu.wait_dma2 semaphore(%dma_wait3A_119 : memref<!tpu.dma_semaphore, #tpu.memory_space<semaphore_mem>>) src(%dma_wait3A_125 : memref<16x1024xf32, #tpu.memory_space<vmem>>) dst(%dma_wait3A_121 : memref<16x1024xf32, #tpu.memory_space<hbm>>)
    %add3A_126 = arith.constant 464 : i32
    %add3A_127 = arith.addi %add3A_35, %add3A_126 : i32
    %dma_wait3A_128 = arith.constant 1 : i32
    %dma_wait3A_129 = arith.constant 1 : i32
    %dma_wait3A_130 = arith.constant 0 : i32
    %dma_wait3A_131 = arith.constant 0 : i32
    %dma_wait3A_132 = tpu.memref_slice %arg6[%dma_wait3A_128, %dma_wait3A_130, %dma_wait3A_131] : memref<4x16x1024xf32, #tpu.memory_space<vmem>> -> memref<1x16x1024xf32, #tpu.memory_space<vmem>>
    %dma_wait3A_133 = tpu.memref_squeeze %dma_wait3A_132 : memref<1x16x1024xf32, #tpu.memory_space<vmem>> -> memref<16x1024xf32, #tpu.memory_space<vmem>>
    %dma_wait3A_134 = arith.constant 0 : i32
    %dma_wait3A_135 = tpu.memref_slice %arg5[%add3A_127, %dma_wait3A_134] : memref<16384x1024xf32, #tpu.memory_space<hbm>> -> memref<16x1024xf32, #tpu.memory_space<hbm>>
    %dma_wait3A_136 = tpu.memref_slice %arg11[%dma_wait3A_129] : memref<4x!tpu.dma_semaphore, #tpu.memory_space<semaphore_mem>> -> memref<1x!tpu.dma_semaphore, #tpu.memory_space<semaphore_mem>>
    %dma_wait3A_137 = tpu.memref_squeeze %dma_wait3A_136 : memref<1x!tpu.dma_semaphore, #tpu.memory_space<semaphore_mem>> -> memref<!tpu.dma_semaphore, #tpu.memory_space<semaphore_mem>>
    %dma_wait3A_138 = arith.constant 0 : i32
    %dma_wait3A_139 = tpu.memref_slice %arg5[%add3A_127, %dma_wait3A_138] : memref<16384x1024xf32, #tpu.memory_space<hbm>> -> memref<16x1024xf32, #tpu.memory_space<hbm>>
    %dma_wait3A_140 = arith.constant 0 : i32
    %dma_wait3A_141 = arith.constant 0 : i32
    %dma_wait3A_142 = tpu.memref_slice %arg6[%dma_wait3A_128, %dma_wait3A_140, %dma_wait3A_141] : memref<4x16x1024xf32, #tpu.memory_space<vmem>> -> memref<1x16x1024xf32, #tpu.memory_space<vmem>>
    %dma_wait3A_143 = tpu.memref_squeeze %dma_wait3A_142 : memref<1x16x1024xf32, #tpu.memory_space<vmem>> -> memref<16x1024xf32, #tpu.memory_space<vmem>>
    tpu.wait_dma2 semaphore(%dma_wait3A_137 : memref<!tpu.dma_semaphore, #tpu.memory_space<semaphore_mem>>) src(%dma_wait3A_143 : memref<16x1024xf32, #tpu.memory_space<vmem>>) dst(%dma_wait3A_139 : memref<16x1024xf32, #tpu.memory_space<hbm>>)
    return
  }
}

</mosaic_0001>

<sc_bundles>
// kernel: kernel.3.cloned.1.call-start
scs
__scs_entry_jumppad:
0x0: {  	(pc) =	sbr.rel $0x88, $3  }
0x1: {  	(tag) =	ssettag $0x0;
	lr =	simm.s32 $0x1  }
0x2: {  	[smem:$0x3F9E] =	sst lr;
	_ =	strace $0xD0000000  }
0x3: {  	_ = 	snop  }
0x4: {  	_ = 	snop  }
0x5: {  	_ = 	snop  }
0x6: {  	_ = 	snop  }
0x7: {  	_ = 	snop  }
__scs_overlays_trampoline_lowered:
0x8: {  	[smem:$0x3FAD] =	sst s0  }
0x9: {  	[smem:$0x3FAE] =	sst s1  }
0xa: {  	[smem:$0x3FAF] =	sst s2  }
0xb: {  	[smem:$0x3FB0] =	sst s3  }
0xc: {  	[smem:$0x3FB1] =	sst s4  }
0xd: {  	[smem:$0x3FB2] =	sst s5  }
0xe: {  	[smem:$0x3FB3] =	sst s6  }
0xf: {  	[smem:$0x3FB4] =	sst s7  }
0x10: {  	[smem:$0x3FB5] =	sst s8  }
0x11: {  	[smem:$0x3FB6] =	sst s9;
	s0 =	simm.s32 @!p0 $0x0  }
0x12: {  	s1 =	sld [smem:$0x3F9C];
	s0 =	simm.s32 @p0 $0x1  }
0x13: {  	[smem:$0x3FB7] =	sst s0;
	s0 =	simm.s32 @!p1 $0x0  }
0x14: {  	s2 =	sld [smem:$0x3F9B];
	s0 =	simm.s32 @p1 $0x1  }
0x15: {  	[smem:$0x3FB8] =	sst s0;
	s0 =	simm.s32 @!p2 $0x0  }
0x16: {  	s3 =	sld [smem:$0x3FDB];
	s0 =	simm.s32 @p2 $0x1  }
0x17: {  	s4 =	simm.s32 $0x1BF5;
	[smem:$0x3FBA] =	sst s0  }
0x18: {  	s0 =	sld [smem:$0x3F9D];
	_ =	swait.ge [sflag:s4], $0x0  }
0x19: {  	s7 =	sld [smem:$0x3F9E]  }
0x1a: {  	s8 =	sadd.s32 $0xFFFFE003, lr  }
0x1b: {  	s9 =	sadd.s32 $0xFFFFFEF7, lr;
	s5 =	simm.s32 $0xFFFFFFFF;
	p2 =	slt.u32 s8, $0xFFFFF086  }
0x1c: {  	p1 =	slt.u32 s9, $0xF7A;
	s5 =	simm.s32 @!p2 $0x0  }
0x1d: {  	s5 =	simm.s32 @p1 $0x1;
	p0 =	seq.s32 s7, s2  }
0x1e: {  	s7 =	smul.u32 @!p0 $0xF7A, s2;
	p2 =	seq.s32 @!p0 s5, $0x0  }
0x1f: {  	s9 =	smul.u32 $0xF7A, s1;
	s8 =	simm.s32 @!p0 $0x1BF5;
	p2 =	por !p2, p0  }
0x20: {  	[sflag:s8] =	ssyncset.s32 @!p0 $0xFFFFF086;
	s6 =	sadd.s32 @!p0 s3, s7;
	s7 =	simm.s32 @!p0 $0x108  }
0x21: {  	s3 =	sadd.s32 s3, s9;
	s6 =	sadd.s32 @!p0 $0x88, s6;
	s7 =	simm.s32 @p2 $0x1082  }
0x22: {  	[simem:s7], [sflag:s8] =	dma.local @!p0 [hbm:s6], $0xF7A  }
0x23: {  	s9 =	sor.u32 $0xD0000000, s2;
	s6 =	simm.s32 $0x108;
	_ =	swait.ge @!p0 [sflag:s8], $0x0  }
0x24: {  	s3 =	sadd.s32 $0x88, s3;
	s6 =	simm.s32 @!p1 $0x1082;
	[sflag:s4] =	ssyncset.s32 $0xFFFFF086  }
0x25: {  	[simem:s6], [sflag:s4] =	dma.local [hbm:s3], $0xF7A  }
0x26: {  	[smem:$0x3F9E] =	sst s1;
	(tag) =	ssettag s2;
	_ =	strace s9  }
0x27: {  	s1 =	sld [smem:$0x3FAE]  }
0x28: {  	s2 =	sld [smem:$0x3FAF]  }
0x29: {  	s4 =	sld [smem:$0x3FB1]  }
0x2a: {  	p0 =	seq.s32 s5, $0x0;
	s5 =	sld [smem:$0x3FB2]  }
0x2b: {  	s6 =	sld [smem:$0x3FB3]  }
0x2c: {  	s7 =	sld [smem:$0x3FB4]  }
0x2d: {  	s3 =	simm.s32 $0x108;
	s8 =	sld [smem:$0x3FB5]  }
0x2e: {  	s3 =	simm.s32 @!p0 $0x1082;
	s9 =	sld [smem:$0x3FB6]  }
0x2f: {  	lr =	sadd.s32 s0, s3;
	s0 =	sld [smem:$0x3FAD]  }
0x30: {  	s3 =	sld [smem:$0x3FB0]  }
0x31: {  	[smem:$0x3FB9] =	sst s10  }
0x32: {  	s10 =	sld [smem:$0x3FB7];
	_ =	sdelay $0x3  }
0x33: {  	p0 =	seq.s32 s10, $0x1;
	s10 =	sld [smem:$0x3FB9];
	_ =	sdelay $0x3  }
0x34: {  	[smem:$0x3FB9] =	sst s10  }
0x35: {  	s10 =	sld [smem:$0x3FB8];
	_ =	sdelay $0x3  }
0x36: {  	p1 =	seq.s32 s10, $0x1;
	s10 =	sld [smem:$0x3FB9];
	_ =	sdelay $0x3  }
0x37: {  	[smem:$0x3FB9] =	sst s10  }
0x38: {  	s10 =	sld [smem:$0x3FBA]  }
0x39: {  	_ = 	snop;
	(pc) =	sbr.ind lr, $3  }
0x3a: {  	_ = 	snop  }
0x3b: {  	_ = 	snop  }
0x3c: {  	p2 =	seq.s32 s10, $0x1;
	s10 =	sld [smem:$0x3FB9]  }
0x3d: {  	_ =	shalt  }
0x3e: {  	_ =	shalt  }
0x3f: {  	_ =	shalt  }
0x40: {  	_ =	shalt  }
0x41: {  	_ =	shalt  }
0x42: {  	_ =	shalt  }
0x43: {  	_ =	shalt  }
0x44: {  	_ =	shalt  }
0x45: {  	_ =	shalt  }
0x46: {  	_ =	shalt  }
0x47: {  	_ =	shalt  }
0x48: {  	_ =	shalt  }
0x49: {  	_ =	shalt  }
0x4a: {  	_ =	shalt  }
0x4b: {  	_ =	shalt  }
0x4c: {  	_ =	shalt  }
0x4d: {  	_ =	shalt  }
0x4e: {  	_ =	shalt  }
0x4f: {  	_ =	shalt  }
0x50: {  	_ =	shalt  }
0x51: {  	_ =	shalt  }
0x52: {  	_ =	shalt  }
0x53: {  	_ =	shalt  }
0x54: {  	_ =	shalt  }
0x55: {  	_ =	shalt  }
0x56: {  	_ =	shalt  }
0x57: {  	_ =	shalt  }
0x58: {  	_ =	shalt  }
0x59: {  	_ =	shalt  }
0x5a: {  	_ =	shalt  }
0x5b: {  	_ =	shalt  }
0x5c: {  	_ =	shalt  }
0x5d: {  	_ =	shalt  }
0x5e: {  	_ =	shalt  }
0x5f: {  	_ =	shalt  }
0x60: {  	_ =	shalt  }
0x61: {  	_ =	shalt  }
0x62: {  	_ =	shalt  }
0x63: {  	_ =	shalt  }
0x64: {  	_ =	shalt  }
0x65: {  	_ =	shalt  }
0x66: {  	_ =	shalt  }
0x67: {  	_ =	shalt  }
0x68: {  	_ =	shalt  }
0x69: {  	_ =	shalt  }
0x6a: {  	_ =	shalt  }
0x6b: {  	_ =	shalt  }
0x6c: {  	_ =	shalt  }
0x6d: {  	_ =	shalt  }
0x6e: {  	_ =	shalt  }
0x6f: {  	_ =	shalt  }
0x70: {  	_ =	shalt  }
0x71: {  	_ =	shalt  }
0x72: {  	_ =	shalt  }
0x73: {  	_ =	shalt  }
0x74: {  	_ =	shalt  }
0x75: {  	_ =	shalt  }
0x76: {  	_ =	shalt  }
0x77: {  	_ =	shalt  }
0x78: {  	_ =	shalt  }
0x79: {  	_ =	shalt  }
0x7a: {  	_ =	shalt  }
0x7b: {  	_ =	shalt  }
0x7c: {  	_ =	shalt  }
0x7d: {  	_ =	shalt  }
0x7e: {  	_ =	shalt  }
0x7f: {  	_ =	shalt  }
0x80: {  	_ =	shalt  }
0x81: {  	_ =	shalt  }
0x82: {  	_ =	shalt  }
0x83: {  	_ =	shalt  }
0x84: {  	_ =	shalt  }
0x85: {  	_ =	shalt  }
0x86: {  	_ =	shalt  }
0x87: {  	_ =	shalt  }
.Lfunc_end0:
.L_simem_size_0:
called_computation_lowered:
.L_overlay_start_0:
0x88: {  	s2 =	sld [smem:$0x3FD9]  }
0x89: {  	s3 =	sld [smem:$0x3FFE];
	_ =	sdelay $0x1  }
0x8a: {  	s1 =	srdreg.scid  }
0x8b: {  	s0 =	sand.u32 $0x1, s1  }
0x8c: {  	s17 =	sshll.u32 s0, $0xA;
	s2 =	sadd.s32 s3, s2  }
0x8d: {  	s2 =	sadd.s32 s2, s17  }
0x8e: {  	[smem:$0x3FC5] =	sst s2  }
0x8f: {  	_ = 	snop  }
0x90: {  	s2 =	sld [smem:$0x3FC9]  }
0x91: {  	s18 =	sld [smem:$0x3FC7]  }
0x92: {  	s4 =	sld [smem:$0x3FD0];
	(tm) =	ssettm $0x1  }
0x93: {  	s5 =	sld [smem:$0x3FFB];
	_ =	sdelay $0x3  }
0x94: {  	_ =	strace s5  }
0x95: {  	s5 =	sld [smem:$0x3FFC];
	_ =	sdelay $0x3  }
0x96: {  	_ =	strace s5  }
0x97: {  	s5 =	sld [smem:$0x3FFD];
	_ =	sdelay $0x3  }
0x98: {  	_ =	strace s5  }
0x99: {  	_ =	strace $0x8FFFFFFF  }
0x9a: {  	s19 =	sld [smem:$0x3FDB];
	_ =	sdelay $0x1  }
0x9b: {  	s6 =	simm.s32 $_scs_section_size  }
0x9c: {  	s7 =	simm.s32 $_size__tile_overlayer_lowered;
	s8 =	simm.s32 $_tile_overlayer_lowered  }
0x9d: {  	s22 =	simm.s32 $0x1BFF;
	s21 =	sshll.u32 s8, $0x1;
	s5 =	sadd.s32 s6, s19  }
0x9e: {  	s9 =	simm.s32 $0x0;
	s20 =	sshll.u32 s7, $0x1;
	s7 =	sadd.s32 s21, s5  }
0x9f: {  	[timem:s9], [sflag:s22] =	dma.local [hbm:s7], s20  }
0xa0: {  	_ =	swait.ge [sflag:s22], s20  }
0xa1: {  	s6 =	ssub.s32 $0x0, s20;
	[sflag:s22] =	ssyncset.done $0x0  }
0xa2: {  	[sflag:s22] =	ssyncadd.s32 s6;
	_ =	sdelay $0x1  }
0xa3: {  	s23 =	simm.s32 $0x1B8B  }
0xa4: {  	_ =	swait.ge [sflag:s23], $0x1  }
0xa5: {  	[sflag:s23] =	ssyncset.done $0x0  }
0xa6: {  	s25 =	simm.s32 $0x1B8E;
	s24 =	sld [smem:$0x3FFE];
	[sflag:s23] =	ssyncadd.s32 $0xFFFFFFFF  }
0xa7: {  	s26 =	simm.s32 $execute0_lowered;
	[smem:$0x3FD2] =	sst s25  }
0xa8: {  	s7 =	sshll.u32 s26, $0x1;
	_ =	strace $0x80000046;
	[dreg:$0x1] =	wrdreg $0xFFFFFFFF  }
0xa9: {  	s28 =	simm.s32 $_size_execute0_lowered;
	s5 =	sadd.s32 s5, s7;
	[dreg:$0x0] =	wrdreg $0x0  }
0xaa: {  	s7 =	sshll.u32 s28, $0x1;
	[dreg:$0x2] =	wrdreg s5  }
0xab: {  	[dreg:$0x3] =	wrdreg s7  }
0xac: {  	[dreg:$0x4] =	wrdreg $0xC0  }
0xad: {  	_ =	task [dreg:s9], $0x5FFFF  }
0xae: {  	[dreg:$0x1] =	wrdreg $0xFFFFFFFF  }
0xaf: {  	[dreg:$0x0] =	wrdreg $0x60  }
0xb0: {  	[dreg:$0x2] =	wrdreg s2  }
0xb1: {  	[dreg:$0x3] =	wrdreg s24  }
0xb2: {  	[dreg:$0x4] =	wrdreg s18  }
0xb3: {  	[dreg:$0x5] =	wrdreg s4  }
0xb4: {  	[dreg:$0x6] =	wrdreg $0x9  }
0xb5: {  	_ =	task.clear_ibuf [dreg:s9], $0x7FFFF;
	_ =	strace $0x90000046  }
0xb6: {  	s29 =	simm.s32 $0x9;
	_ =	strace $0x80000048  }
0xb7: {  	_ =	swait.ge [sflag:s29], $0x1  }
0xb8: {  	[sflag:s29] =	ssyncadd.s32 $0xFFFFFFFF  }
0xb9: {  	_ =	strace $0x90000048  }
0xba: {  	_ =	sfence  }
0xbb: {  	s30 =	sld [smem:$0x0];
	_ =	sdelay $0x2  }
0xbc: {  	s31 =	sshll.u32 s1, $0xD;
	s1 =	sshrl.u32 s1, $0x2  }
0xbd: {  	s3 =	sand.u32 $0x4000, s31;
	s1 =	sadd.s32 s1, s30  }
0xbe: {  	s0 =	sor.u32 s3, s0;
	s1 =	sshll.u32 s1, $0x11  }
0xbf: {  	s0 =	sor.u32 s1, s0  }
0xc0: {  	s0 =	sadd.s32 $0x8F2B, s0  }
0xc1: {  	[sflag:s0] =	ssyncadd.remote.s32 $0x1  }
0xc2: {  	_ =	sfence.sel $0xFFFF  }
0xc3: {  	[dreg:$0x0] =	wrdreg $0xFFFFFFFF;
	(pc) =	sbr.abs _section_cstart, $3  }
0xc4: {  	[dreg:$0x1] =	wrdreg $0xFFFFFFFF  }
0xc5: {  	_ =	task.clear_ibuf [dreg:s9], $0x2FFFF;
	_ =	strace $0x9FFFFFFF  }
0xc6: {  	(tm) =	ssettm $0x7FFFFFFF  }
0xc7: {  	_ =	shalt  }
tec
execute0_lowered:
.L_overlay_start_1:
0x0: {  	(tag) =	ssettag $0x1  }
0x1: {  	s0 =	rddreg [dreg:$0x0]  }
0x2: {  	s1 =	rddreg [dreg:$0x1]  }
0x3: {  	s2 =	rddreg [dreg:$0x2]  }
0x4: {  	s9 =	rddreg [dreg:$0x3];
	s6 =	stileid.u32  }
0x5: {  	s3 =	simm.s32 $0x0;
	s4 =	srdreg.scid;
	s11 =	simm.s32 $0x1C000  }
0x6: {  	s12 =	simm.s32 $0xC;
	s29 =	simm.s32 $0x17800;
	s30 =	simm.s32 $0xB  }
0x7: {  	s31 =	simm.s32 $0xA;
	s5 =	sshll.u32 s6, $0x1;
	[smem:$0x7FF] =	sst s3  }
0x8: {  	s4 =	sand.u32 $0x1, s4;
	s13 =	sshrl.u32 s6, $0x2;
	s6 =	sadd.s32 $0x100, s2  }
0x9: {  	s5 =	sand.u32 $0x6, s5;
	_ =	strace $0x80000047;
	s26 =	ssub.s32 $0x2, s4  }
0xa: {  	s7 =	sshll.u32 s13, $0x13;
	s5 =	sor.u32 s4, s5;
	s28 =	sshrl.u32 s26, $0x1  }
0xb: {  	v5 =	vlaneseq.u32;
	s4 =	sadd.s32 $0x400, s1;
	s8 =	sshll.u32 s5, $0x10;
	s1 =	ssub.s32 s26, s28  }
0xc: {  	vm0 =	vmmov $0xffff;
	v2 =	vor.u32 $0x10, v5;
	v4 =	vshrl.u32 v5, $0x3;
	s14 =	sshll.u32 s5, $0x9;
	s10 =	sor.u32 s7, s8;
	s7 =	sadd.s32 $0x200, s2  }
0xd: {  	v3 =	vand.u32 $0x7, v5;
	v0 =	vmov s13;
	v4 =	vmul.u32 $0x8, v4;
	s8 =	sadd.s32 $0x300, s2;
	s5 =	sadd.s32 s0, s10;
	s9 =	sadd.s32 s9, s10  }
0xe: {  	v1 =	vor.u32 s14, v5;
	v2 =	vor.u32 s14, v2;
	v5 =	vor.u32 $0x8, v5;
	s10 =	smax.u32 s1, $0x1;
	s0 =	simm.s32 $0x9;
	s1 =	simm.s32 $0x0  }
.LBB2_1:
0xf: {  	[tilespmem:s11], [sflag:$0xC] =	stream.linear.gather [hbm4b:s4+s3], $0x80, $0x38;
	[tilespmem:$0x1C080] =	vst v63  }
0x10: {  	_ =	swait.ge [sflag:s12], $0x80  }
0x11: {  	[sflag:s12] =	ssyncset.done $0x0  }
0x12: {  	[sflag:s12] =	ssyncadd.s32 $0xFFFFFF80  }
0x13: {  	v8 =	vld.idx.msk [tilespmem:v0+s11+$0x0], $0xffff;
	_ =	sdelay $0x4  }
0x14: {  	v6 =	vadd.s32 v1, v8  }
0x15: {  	v9 =	vshll.u32 v6, $0x3  }
0x16: {  	v7 =	vand.u32 $0x7, v6;
	v9 =	vand.u32 $0xFFFFFFC0, v9  }
0x17: {  	v9 =	vor.u32 v7, v9  }
0x18: {  	v10 =	vperm.xlane v9, v3;
	_ =	sdelay $0x1  }
0x19: {  	v10 =	vadd.s32 v4, v10;
	_ =	sdelay $0x2  }
0x1a: {  	[tilespmem:s3], [sflag:$0x1] =	stream.linear.gather [hbm4b:s5+s3], $0x4000, $0x38;
	[tilespmem:$0x1C080] =	vst v63  }
0x1b: {  	s13 =	simm.s32 $0x10000  }
0x1c: {  	[tilespmem:s13], [sflag:$0x5] =	stream.indirect_vreg.gather [hbm4b:s2+s3], $0x80, v10, vm0, $0xb8;
	[tilespmem:$0x1C080] =	vst v63  }
0x1d: {  	s14 =	simm.s32 $0x10800;
	v9 =	vperm.xlane v9, v5  }
0x1e: {  	[tilespmem:s14], [sflag:$0x5] =	stream.indirect_vreg.gather [hbm4b:s6+s3], $0x80, v10, vm0, $0xb8;
	[tilespmem:$0x1C080] =	vst v63  }
0x1f: {  	s15 =	simm.s32 $0x11000;
	v9 =	vadd.s32 v4, v9  }
0x20: {  	[tilespmem:s15], [sflag:$0x5] =	stream.indirect_vreg.gather [hbm4b:s7+s3], $0x80, v10, vm0, $0xb8;
	[tilespmem:$0x1C080] =	vst v63  }
0x21: {  	s16 =	simm.s32 $0x11800;
	v8 =	vadd.s32 v2, v8  }
0x22: {  	v63 =	vshll.u32 v8, $0x3;
	[tilespmem:s16], [sflag:$0x5] =	stream.indirect_vreg.gather [hbm4b:s8+s3], $0x80, v10, vm0, $0xb8;
	[tilespmem:$0x1C080] =	vst v63  }
0x23: {  	s17 =	simm.s32 $0x12000;
	v8 =	vand.u32 $0x7, v8;
	v10 =	vand.u32 $0xFFFFFFC0, v63  }
0x24: {  	v8 =	vor.u32 v8, v10;
	[tilespmem:s17], [sflag:$0x5] =	stream.indirect_vreg.gather [hbm4b:s2+s3], $0x80, v9, vm0, $0xb8;
	[tilespmem:$0x1C080] =	vst v63  }
0x25: {  	s18 =	simm.s32 $0x12800;
	v10 =	vperm.xlane v8, v3  }
0x26: {  	[tilespmem:s18], [sflag:$0x5] =	stream.indirect_vreg.gather [hbm4b:s6+s3], $0x80, v9, vm0, $0xb8;
	[tilespmem:$0x1C080] =	vst v63  }
0x27: {  	s19 =	simm.s32 $0x13000;
	v10 =	vadd.s32 v4, v10  }
0x28: {  	[tilespmem:s19], [sflag:$0x5] =	stream.indirect_vreg.gather [hbm4b:s7+s3], $0x80, v9, vm0, $0xb8;
	[tilespmem:$0x1C080] =	vst v63  }
0x29: {  	s20 =	simm.s32 $0x13800  }
0x2a: {  	[tilespmem:s20], [sflag:$0x5] =	stream.indirect_vreg.gather [hbm4b:s8+s3], $0x80, v9, vm0, $0xb8;
	[tilespmem:$0x1C080] =	vst v63  }
0x2b: {  	s21 =	simm.s32 $0x14000  }
0x2c: {  	[tilespmem:s21], [sflag:$0x6] =	stream.indirect_vreg.gather [hbm4b:s2+s3], $0x80, v10, vm0, $0xb8;
	[tilespmem:$0x1C080] =	vst v63  }
0x2d: {  	s22 =	simm.s32 $0x14800;
	v8 =	vperm.xlane v8, v5  }
0x2e: {  	[tilespmem:s22], [sflag:$0x6] =	stream.indirect_vreg.gather [hbm4b:s6+s3], $0x80, v10, vm0, $0xb8;
	[tilespmem:$0x1C080] =	vst v63  }
0x2f: {  	s23 =	simm.s32 $0x15000;
	v8 =	vadd.s32 v4, v8  }
0x30: {  	[tilespmem:s23], [sflag:$0x6] =	stream.indirect_vreg.gather [hbm4b:s7+s3], $0x80, v10, vm0, $0xb8;
	[tilespmem:$0x1C080] =	vst v63  }
0x31: {  	s24 =	simm.s32 $0x15800  }
0x32: {  	[tilespmem:s24], [sflag:$0x6] =	stream.indirect_vreg.gather [hbm4b:s8+s3], $0x80, v10, vm0, $0xb8;
	[tilespmem:$0x1C080] =	vst v63  }
0x33: {  	s25 =	simm.s32 $0x16000  }
0x34: {  	[tilespmem:s25], [sflag:$0x6] =	stream.indirect_vreg.gather [hbm4b:s2+s3], $0x80, v8, vm0, $0xb8;
	[tilespmem:$0x1C080] =	vst v63  }
0x35: {  	s26 =	simm.s32 $0x16800  }
0x36: {  	[tilespmem:s26], [sflag:$0x6] =	stream.indirect_vreg.gather [hbm4b:s6+s3], $0x80, v8, vm0, $0xb8;
	[tilespmem:$0x1C080] =	vst v63  }
0x37: {  	s28 =	simm.s32 $0x17000  }
0x38: {  	[tilespmem:s28], [sflag:$0x6] =	stream.indirect_vreg.gather [hbm4b:s7+s3], $0x80, v8, vm0, $0xb8;
	[tilespmem:$0x1C080] =	vst v63  }
0x39: {  	s13 =	simm.s32 $0x0  }
0x3a: {  	[tilespmem:s29], [sflag:$0x6] =	stream.indirect_vreg.gather [hbm4b:s8+s3], $0x80, v8, vm0, $0xb8;
	[tilespmem:$0x1C080] =	vst v63  }
.LBB2_2:
0x3b: {  	p1 =	slt.u32 s13, $0x3  }
0x3c: {  	p0 =	seq.s32 @!p1 s13, $0x1F  }
0x3d: {  	s15 =	sadd.s32 $0x1, s13;
	p0 =	por p1, !p0  }
.Ltmp0:
0x3e: {  	s16 =	sand.u32 @!p1 $0x3, s15;
	(pc) =	sbr.rel @!p0 .LBB2_4-.Ltmp0, $4  }
0x3f: {  	s14 =	sor.u32 @!p1 $0x8, s16  }
0x40: {  	_ =	swait.ge @!p1 [sflag:s14], $0x4000  }
0x41: {  	[sflag:s14] =	ssyncset.done @!p1 $0x0  }
0x42: {  	[sflag:s14] =	ssyncadd.s32 @!p1 $0xFFFFC000;
	s14 =	simm.s32 @!p1 $0x20  }
0x43: {  	p0 =	sgt.u32 s13, $0x1D  }
0x44: {  	s14 =	sadd.s32 @!p0 $0x2, s13  }
0x45: {  	s17 =	sshll.u32 @!p0 s14, $0x4  }
0x46: {  	v8 =	vadd.s32 @!p0 s17, v6  }
0x47: {  	s17 =	smul.u32 @!p0 $0xAB, s14;
	v8 =	vshll.u32 @!p0 v8, $0x3  }
0x48: {  	v9 =	vlaneseq.u32 @!p0;
	v8 =	vand.u32 @!p0 $0xFFFFFFC0, v8  }
0x49: {  	s16 =	smov.u32 @p1 s15;
	s19 =	sshll.u32 s15, $0xB;
	v10 =	vand.u32 @!p0 $0x7, v9;
	v11 =	vshrl.u32 @!p0 v9, $0x3;
	s17 =	sshrl.u32 @!p0 s17, $0x9;
	v8 =	vor.u32 @!p0 v7, v8  }
0x4a: {  	s18 =	sshll.u32 s16, $0xE;
	s16 =	sadd.s32 $0x1, s16;
	v11 =	vmul.u32 @!p0 $0x8, v11;
	s17 =	sand.u32 @!p0 $0x7F, s17;
	v10 =	vperm.xlane @!p0 v8, v10  }
0x4b: {  	s19 =	sadd.s32 s19, s5;
	s18 =	sand.u32 $0x3FFFC000, s18;
	s17 =	smul.u32 @!p0 $0x3, s17  }
0x4c: {  	[tilespmem:s18], [sflag:s16] =	stream.linear.gather [hbm4b:s19+s3], $0x4000, $0x38;
	v10 =	vadd.s32 @!p0 v11, v10;
	[tilespmem:$0x1C080] =	vst v63  }
0x4d: {  	s14 =	ssub.s32 @!p0 s14, s17  }
0x4e: {  	s14 =	sand.u32 @!p0 $0xFF, s14  }
0x4f: {  	s16 =	sshll.u32 @!p0 s14, $0xE  }
0x50: {  	vm1 =	vmmov @!p0 $0xffff;
	s18 =	simm.s32 @!p0 $0x0;
	s14 =	sadd.s32 @!p0 $0x5, s14;
	s17 =	sor.u32 @!p0 $0x10000, s16  }
0x51: {  	v9 =	vor.u32 @!p0 $0x8, v9;
	[tilespmem:s17], [sflag:s14] =	stream.indirect_vreg.gather @!p0 [hbm4b:s2+s18], $0x80, v10, vm1, $0xb8;
	[tilespmem:$0x1C080] =	vst v63  }
0x52: {  	v8 =	vperm.xlane @!p0 v8, v9;
	s17 =	sor.u32 @!p0 $0x10800, s16  }
0x53: {  	[tilespmem:s17], [sflag:s14] =	stream.indirect_vreg.gather @!p0 [hbm4b:s6+s18], $0x80, v10, vm1, $0xb8;
	[tilespmem:$0x1C080] =	vst v63  }
0x54: {  	v8 =	vadd.s32 @!p0 v11, v8;
	s17 =	sor.u32 @!p0 $0x11000, s16  }
0x55: {  	[tilespmem:s17], [sflag:s14] =	stream.indirect_vreg.gather @!p0 [hbm4b:s7+s18], $0x80, v10, vm1, $0xb8;
	[tilespmem:$0x1C080] =	vst v63  }
0x56: {  	s17 =	sor.u32 @!p0 $0x11800, s16  }
0x57: {  	[tilespmem:s17], [sflag:s14] =	stream.indirect_vreg.gather @!p0 [hbm4b:s8+s18], $0x80, v10, vm1, $0xb8;
	[tilespmem:$0x1C080] =	vst v63  }
0x58: {  	s17 =	sor.u32 @!p0 $0x12000, s16  }
0x59: {  	[tilespmem:s17], [sflag:s14] =	stream.indirect_vreg.gather @!p0 [hbm4b:s2+s18], $0x80, v8, vm1, $0xb8;
	[tilespmem:$0x1C080] =	vst v63  }
0x5a: {  	s17 =	sor.u32 @!p0 $0x12800, s16  }
0x5b: {  	[tilespmem:s17], [sflag:s14] =	stream.indirect_vreg.gather @!p0 [hbm4b:s6+s18], $0x80, v8, vm1, $0xb8;
	[tilespmem:$0x1C080] =	vst v63  }
0x5c: {  	s17 =	sor.u32 @!p0 $0x13000, s16  }
0x5d: {  	[tilespmem:s17], [sflag:s14] =	stream.indirect_vreg.gather @!p0 [hbm4b:s7+s18], $0x80, v8, vm1, $0xb8;
	[tilespmem:$0x1C080] =	vst v63  }
0x5e: {  	s16 =	sor.u32 @!p0 $0x13800, s16  }
0x5f: {  	[tilespmem:s16], [sflag:s14] =	stream.indirect_vreg.gather @!p0 [hbm4b:s8+s18], $0x80, v8, vm1, $0xb8;
	[tilespmem:$0x1C080] =	vst v63  }
0x60: {  	s14 =	smov.u32 s15  }
.LBB2_4:
0x61: {  	s15 =	smul.u32 $0xAB, s13;
	_ =	sdelay $0x1  }
0x62: {  	s16 =	sshrl.u32 s15, $0x9  }
0x63: {  	s16 =	sand.u32 $0x7F, s16  }
0x64: {  	s15 =	sand.u32 $0x3, s13;
	s16 =	smul.u32 $0x3, s16  }
0x65: {  	s17 =	sadd.s32 $0x1, s15  }
0x66: {  	_ =	swait.ge [sflag:s17], $0x4000;
	s16 =	ssub.s32 s13, s16  }
0x67: {  	s18 =	simm.s32 $0x0;
	[sflag:s17] =	ssyncset.done $0x0;
	s16 =	sand.u32 $0xFF, s16  }
0x68: {  	[sflag:s17] =	ssyncadd.s32 $0xFFFFC000;
	s26 =	sadd.s32 $0x5, s16;
	s16 =	sshll.u32 s16, $0xE  }
0x69: {  	s19 =	sand.u32 $0x2000, s18;
	_ =	swait.ge [sflag:s26], $0x4000;
	s22 =	sadd.s32 $0x10000, s16  }
0x6a: {  	s18 =	sand.u32 $0x380, s18;
	[sflag:s26] =	ssyncset.done $0x0;
	s16 =	sadd.s32 s19, s22  }
0x6b: {  	[sflag:s26] =	ssyncadd.s32 $0xFFFFC000;
	s23 =	sadd.s32 s18, s16  }
0x6c: {  	v8 =	vld [tilespmem:s23+$0x0];
	_ =	sdelay $0x1  }
0x6d: {  	s16 =	sshll.u32 s15, $0xE  }
0x6e: {  	s28 =	sadd.s32 s19, s16  }
0x6f: {  	s17 =	sadd.s32 s18, s28  }
0x70: {  	[tilespmem:s17+$0x0] =	vst.add.f32.msk $0xffff, v8  }
0x71: {  	v8 =	vld [tilespmem:s23+$0x10];
	_ =	sdelay $0x4  }
0x72: {  	[tilespmem:s17+$0x10] =	vst.add.f32.msk $0xffff, v8  }
0x73: {  	v8 =	vld [tilespmem:s23+$0x20];
	_ =	sdelay $0x4  }
0x74: {  	[tilespmem:s17+$0x20] =	vst.add.f32.msk $0xffff, v8  }
0x75: {  	v8 =	vld [tilespmem:s23+$0x30];
	_ =	sdelay $0x4  }
0x76: {  	[tilespmem:s17+$0x30] =	vst.add.f32.msk $0xffff, v8  }
0x77: {  	v8 =	vld [tilespmem:s23+$0x40];
	_ =	sdelay $0x4  }
0x78: {  	[tilespmem:s17+$0x40] =	vst.add.f32.msk $0xffff, v8  }
0x79: {  	v8 =	vld [tilespmem:s23+$0x50];
	_ =	sdelay $0x4  }
0x7a: {  	[tilespmem:s17+$0x50] =	vst.add.f32.msk $0xffff, v8  }
0x7b: {  	v8 =	vld [tilespmem:s23+$0x60];
	_ =	sdelay $0x4  }
0x7c: {  	[tilespmem:s17+$0x60] =	vst.add.f32.msk $0xffff, v8  }
0x7d: {  	v8 =	vld [tilespmem:s23+$0x70];
	_ =	sdelay $0x4  }
0x7e: {  	[tilespmem:s17+$0x70] =	vst.add.f32.msk $0xffff, v8  }
0x7f: {  	v8 =	vld [tilespmem:s23+$0x400];
	_ =	sdelay $0x4  }
0x80: {  	[tilespmem:s17+$0x400] =	vst.add.f32.msk $0xffff, v8  }
0x81: {  	v8 =	vld [tilespmem:s23+$0x410];
	_ =	sdelay $0x4  }
0x82: {  	[tilespmem:s17+$0x410] =	vst.add.f32.msk $0xffff, v8  }
0x83: {  	v8 =	vld [tilespmem:s23+$0x420];
	_ =	sdelay $0x4  }
0x84: {  	[tilespmem:s17+$0x420] =	vst.add.f32.msk $0xffff, v8  }
0x85: {  	v8 =	vld [tilespmem:s23+$0x430];
	_ =	sdelay $0x4  }
0x86: {  	[tilespmem:s17+$0x430] =	vst.add.f32.msk $0xffff, v8  }
0x87: {  	v8 =	vld [tilespmem:s23+$0x440];
	_ =	sdelay $0x4  }
0x88: {  	[tilespmem:s17+$0x440] =	vst.add.f32.msk $0xffff, v8  }
0x89: {  	v8 =	vld [tilespmem:s23+$0x450];
	_ =	sdelay $0x4  }
0x8a: {  	[tilespmem:s17+$0x450] =	vst.add.f32.msk $0xffff, v8  }
0x8b: {  	v8 =	vld [tilespmem:s23+$0x460];
	_ =	sdelay $0x4  }
0x8c: {  	[tilespmem:s17+$0x460] =	vst.add.f32.msk $0xffff, v8  }
0x8d: {  	v8 =	vld [tilespmem:s23+$0x470];
	_ =	sdelay $0x4  }
0x8e: {  	[tilespmem:s17+$0x470] =	vst.add.f32.msk $0xffff, v8  }
0x8f: {  	v8 =	vld [tilespmem:s23+$0x800];
	_ =	sdelay $0x4  }
0x90: {  	[tilespmem:s17+$0x800] =	vst.add.f32.msk $0xffff, v8  }
0x91: {  	v8 =	vld [tilespmem:s23+$0x810];
	_ =	sdelay $0x4  }
0x92: {  	[tilespmem:s17+$0x810] =	vst.add.f32.msk $0xffff, v8  }
0x93: {  	v8 =	vld [tilespmem:s23+$0x820];
	_ =	sdelay $0x4  }
0x94: {  	[tilespmem:s17+$0x820] =	vst.add.f32.msk $0xffff, v8  }
0x95: {  	v8 =	vld [tilespmem:s23+$0x830];
	_ =	sdelay $0x4  }
0x96: {  	[tilespmem:s17+$0x830] =	vst.add.f32.msk $0xffff, v8  }
0x97: {  	v8 =	vld [tilespmem:s23+$0x840];
	_ =	sdelay $0x3  }
0x98: {  	s19 =	simm.s32 $0x400  }
0x99: {  	s20 =	simm.s32 $0x80;
	s18 =	sand.u32 $0x2000, s19;
	[tilespmem:s17+$0x840] =	vst.add.f32.msk $0xffff, v8  }
0x9a: {  	s20 =	sand.u32 $0x380, s20;
	s21 =	sadd.s32 s18, s22;
	v8 =	vld [tilespmem:s23+$0x850]  }
0x9b: {  	s19 =	sadd.s32 s20, s21  }
0x9c: {  	v9 =	vld [tilespmem:s19+$0x0];
	_ =	sdelay $0x2  }
0x9d: {  	s18 =	sadd.s32 s18, s16;
	[tilespmem:s17+$0x850] =	vst.add.f32.msk $0xffff, v8  }
0x9e: {  	s18 =	sadd.s32 s20, s18;
	v8 =	vld [tilespmem:s23+$0x860]  }
0x9f: {  	[tilespmem:s18+$0x0] =	vst.add.f32.msk $0xffff, v9  }
0xa0: {  	v9 =	vld [tilespmem:s19+$0x10];
	_ =	sdelay $0x2  }
0xa1: {  	[tilespmem:s17+$0x860] =	vst.add.f32.msk $0xffff, v8  }
0xa2: {  	v8 =	vld [tilespmem:s23+$0x870]  }
0xa3: {  	[tilespmem:s18+$0x10] =	vst.add.f32.msk $0xffff, v9  }
0xa4: {  	v9 =	vld [tilespmem:s19+$0x20];
	_ =	sdelay $0x2  }
0xa5: {  	[tilespmem:s17+$0x870] =	vst.add.f32.msk $0xffff, v8  }
0xa6: {  	v8 =	vld [tilespmem:s23+$0xC00]  }
0xa7: {  	[tilespmem:s18+$0x20] =	vst.add.f32.msk $0xffff, v9  }
0xa8: {  	v9 =	vld [tilespmem:s19+$0x30];
	_ =	sdelay $0x2  }
0xa9: {  	[tilespmem:s17+$0xC00] =	vst.add.f32.msk $0xffff, v8  }
0xaa: {  	v8 =	vld [tilespmem:s23+$0xC10]  }
0xab: {  	[tilespmem:s18+$0x30] =	vst.add.f32.msk $0xffff, v9  }
0xac: {  	v9 =	vld [tilespmem:s19+$0x40];
	_ =	sdelay $0x2  }
0xad: {  	[tilespmem:s17+$0xC10] =	vst.add.f32.msk $0xffff, v8  }
0xae: {  	v8 =	vld [tilespmem:s23+$0xC20]  }
0xaf: {  	[tilespmem:s18+$0x40] =	vst.add.f32.msk $0xffff, v9  }
0xb0: {  	v9 =	vld [tilespmem:s19+$0x50];
	_ =	sdelay $0x2  }
0xb1: {  	[tilespmem:s17+$0xC20] =	vst.add.f32.msk $0xffff, v8  }
0xb2: {  	v8 =	vld [tilespmem:s23+$0xC30]  }
0xb3: {  	[tilespmem:s18+$0x50] =	vst.add.f32.msk $0xffff, v9  }
0xb4: {  	v9 =	vld [tilespmem:s19+$0x60];
	_ =	sdelay $0x2  }
0xb5: {  	[tilespmem:s17+$0xC30] =	vst.add.f32.msk $0xffff, v8  }
0xb6: {  	v8 =	vld [tilespmem:s23+$0xC40]  }
0xb7: {  	[tilespmem:s18+$0x60] =	vst.add.f32.msk $0xffff, v9  }
0xb8: {  	v9 =	vld [tilespmem:s19+$0x70];
	_ =	sdelay $0x2  }
0xb9: {  	[tilespmem:s17+$0xC40] =	vst.add.f32.msk $0xffff, v8  }
0xba: {  	v8 =	vld [tilespmem:s23+$0xC50]  }
0xbb: {  	[tilespmem:s18+$0x70] =	vst.add.f32.msk $0xffff, v9  }
0xbc: {  	v9 =	vld [tilespmem:s19+$0x400];
	_ =	sdelay $0x2  }
0xbd: {  	[tilespmem:s17+$0xC50] =	vst.add.f32.msk $0xffff, v8  }
0xbe: {  	v8 =	vld [tilespmem:s23+$0xC60]  }
0xbf: {  	[tilespmem:s18+$0x400] =	vst.add.f32.msk $0xffff, v9  }
0xc0: {  	v9 =	vld [tilespmem:s19+$0x410];
	_ =	sdelay $0x2  }
0xc1: {  	[tilespmem:s17+$0xC60] =	vst.add.f32.msk $0xffff, v8  }
0xc2: {  	v8 =	vld [tilespmem:s23+$0xC70]  }
0xc3: {  	[tilespmem:s18+$0x410] =	vst.add.f32.msk $0xffff, v9  }
0xc4: {  	v9 =	vld [tilespmem:s19+$0x420];
	_ =	sdelay $0x2  }
0xc5: {  	[tilespmem:s17+$0xC70] =	vst.add.f32.msk $0xffff, v8  }
0xc6: {  	v8 =	vld [tilespmem:s23+$0x1000]  }
0xc7: {  	[tilespmem:s18+$0x420] =	vst.add.f32.msk $0xffff, v9  }
0xc8: {  	v9 =	vld [tilespmem:s19+$0x430];
	_ =	sdelay $0x2  }
0xc9: {  	[tilespmem:s17+$0x1000] =	vst.add.f32.msk $0xffff, v8  }
0xca: {  	v8 =	vld [tilespmem:s23+$0x1010]  }
0xcb: {  	[tilespmem:s18+$0x430] =	vst.add.f32.msk $0xffff, v9  }
0xcc: {  	v9 =	vld [tilespmem:s19+$0x440];
	_ =	sdelay $0x2  }
0xcd: {  	[tilespmem:s17+$0x1010] =	vst.add.f32.msk $0xffff, v8  }
0xce: {  	v8 =	vld [tilespmem:s23+$0x1020]  }
0xcf: {  	[tilespmem:s18+$0x440] =	vst.add.f32.msk $0xffff, v9  }
0xd0: {  	v9 =	vld [tilespmem:s19+$0x450];
	_ =	sdelay $0x2  }
0xd1: {  	[tilespmem:s17+$0x1020] =	vst.add.f32.msk $0xffff, v8  }
0xd2: {  	v8 =	vld [tilespmem:s23+$0x1030]  }
0xd3: {  	[tilespmem:s18+$0x450] =	vst.add.f32.msk $0xffff, v9  }
0xd4: {  	v9 =	vld [tilespmem:s19+$0x460];
	_ =	sdelay $0x2  }
0xd5: {  	[tilespmem:s17+$0x1030] =	vst.add.f32.msk $0xffff, v8  }
0xd6: {  	v8 =	vld [tilespmem:s23+$0x1040]  }
0xd7: {  	[tilespmem:s18+$0x460] =	vst.add.f32.msk $0xffff, v9  }
0xd8: {  	v9 =	vld [tilespmem:s19+$0x470];
	_ =	sdelay $0x2  }
0xd9: {  	[tilespmem:s17+$0x1040] =	vst.add.f32.msk $0xffff, v8  }
0xda: {  	v8 =	vld [tilespmem:s23+$0x1050]  }
0xdb: {  	[tilespmem:s18+$0x470] =	vst.add.f32.msk $0xffff, v9  }
0xdc: {  	v9 =	vld [tilespmem:s19+$0x800];
	_ =	sdelay $0x2  }
0xdd: {  	[tilespmem:s17+$0x1050] =	vst.add.f32.msk $0xffff, v8  }
0xde: {  	v8 =	vld [tilespmem:s23+$0x1060]  }
0xdf: {  	[tilespmem:s18+$0x800] =	vst.add.f32.msk $0xffff, v9  }
0xe0: {  	v9 =	vld [tilespmem:s19+$0x810];
	_ =	sdelay $0x2  }
0xe1: {  	[tilespmem:s17+$0x1060] =	vst.add.f32.msk $0xffff, v8  }
0xe2: {  	v8 =	vld [tilespmem:s23+$0x1070]  }
0xe3: {  	[tilespmem:s18+$0x810] =	vst.add.f32.msk $0xffff, v9  }
0xe4: {  	v9 =	vld [tilespmem:s19+$0x820];
	_ =	sdelay $0x2  }
0xe5: {  	[tilespmem:s17+$0x1070] =	vst.add.f32.msk $0xffff, v8  }
0xe6: {  	v8 =	vld [tilespmem:s23+$0x1400]  }
0xe7: {  	[tilespmem:s18+$0x820] =	vst.add.f32.msk $0xffff, v9  }
0xe8: {  	v9 =	vld [tilespmem:s19+$0x830];
	_ =	sdelay $0x2  }
0xe9: {  	[tilespmem:s17+$0x1400] =	vst.add.f32.msk $0xffff, v8  }
0xea: {  	v8 =	vld [tilespmem:s23+$0x1410]  }
0xeb: {  	[tilespmem:s18+$0x830] =	vst.add.f32.msk $0xffff, v9  }
0xec: {  	v9 =	vld [tilespmem:s19+$0x840];
	_ =	sdelay $0x2  }
0xed: {  	[tilespmem:s17+$0x1410] =	vst.add.f32.msk $0xffff, v8  }
0xee: {  	s24 =	simm.s32 $0x800;
	v8 =	vld [tilespmem:s23+$0x1420]  }
0xef: {  	s25 =	simm.s32 $0x100;
	s21 =	sand.u32 $0x2000, s24;
	[tilespmem:s18+$0x840] =	vst.add.f32.msk $0xffff, v9  }
0xf0: {  	s24 =	sand.u32 $0x380, s25;
	s26 =	sadd.s32 s21, s22;
	v9 =	vld [tilespmem:s19+$0x850]  }
0xf1: {  	s20 =	sadd.s32 s24, s26  }
0xf2: {  	v10 =	vld [tilespmem:s20+$0x0]  }
0xf3: {  	[tilespmem:s17+$0x1420] =	vst.add.f32.msk $0xffff, v8  }
0xf4: {  	v8 =	vld [tilespmem:s23+$0x1430]  }
0xf5: {  	s21 =	sadd.s32 s21, s16;
	[tilespmem:s18+$0x850] =	vst.add.f32.msk $0xffff, v9  }
0xf6: {  	s21 =	sadd.s32 s24, s21;
	v9 =	vld [tilespmem:s19+$0x860]  }
0xf7: {  	[tilespmem:s21+$0x0] =	vst.add.f32.msk $0xffff, v10  }
0xf8: {  	v10 =	vld [tilespmem:s20+$0x10]  }
0xf9: {  	[tilespmem:s17+$0x1430] =	vst.add.f32.msk $0xffff, v8  }
0xfa: {  	v8 =	vld [tilespmem:s23+$0x1440]  }
0xfb: {  	[tilespmem:s18+$0x860] =	vst.add.f32.msk $0xffff, v9  }
0xfc: {  	v9 =	vld [tilespmem:s19+$0x870]  }
0xfd: {  	[tilespmem:s21+$0x10] =	vst.add.f32.msk $0xffff, v10  }
0xfe: {  	v10 =	vld [tilespmem:s20+$0x20]  }
0xff: {  	[tilespmem:s17+$0x1440] =	vst.add.f32.msk $0xffff, v8  }
0x100: {  	v8 =	vld [tilespmem:s23+$0x1450]  }
0x101: {  	[tilespmem:s18+$0x870] =	vst.add.f32.msk $0xffff, v9  }
0x102: {  	v9 =	vld [tilespmem:s19+$0xC00]  }
0x103: {  	[tilespmem:s21+$0x20] =	vst.add.f32.msk $0xffff, v10  }
0x104: {  	v10 =	vld [tilespmem:s20+$0x30]  }
0x105: {  	[tilespmem:s17+$0x1450] =	vst.add.f32.msk $0xffff, v8  }
0x106: {  	v8 =	vld [tilespmem:s23+$0x1460]  }
0x107: {  	[tilespmem:s18+$0xC00] =	vst.add.f32.msk $0xffff, v9  }
0x108: {  	v9 =	vld [tilespmem:s19+$0xC10]  }
0x109: {  	[tilespmem:s21+$0x30] =	vst.add.f32.msk $0xffff, v10  }
0x10a: {  	v10 =	vld [tilespmem:s20+$0x40]  }
0x10b: {  	[tilespmem:s17+$0x1460] =	vst.add.f32.msk $0xffff, v8  }
0x10c: {  	v8 =	vld [tilespmem:s23+$0x1470]  }
0x10d: {  	[tilespmem:s18+$0xC10] =	vst.add.f32.msk $0xffff, v9  }
0x10e: {  	v9 =	vld [tilespmem:s19+$0xC20]  }
0x10f: {  	[tilespmem:s21+$0x40] =	vst.add.f32.msk $0xffff, v10  }
0x110: {  	v10 =	vld [tilespmem:s20+$0x50]  }
0x111: {  	[tilespmem:s17+$0x1470] =	vst.add.f32.msk $0xffff, v8  }
0x112: {  	v8 =	vld [tilespmem:s23+$0x1800]  }
0x113: {  	[tilespmem:s18+$0xC20] =	vst.add.f32.msk $0xffff, v9  }
0x114: {  	v9 =	vld [tilespmem:s19+$0xC30]  }
0x115: {  	[tilespmem:s21+$0x50] =	vst.add.f32.msk $0xffff, v10  }
0x116: {  	v10 =	vld [tilespmem:s20+$0x60]  }
0x117: {  	[tilespmem:s17+$0x1800] =	vst.add.f32.msk $0xffff, v8  }
0x118: {  	v8 =	vld [tilespmem:s23+$0x1810]  }
0x119: {  	[tilespmem:s18+$0xC30] =	vst.add.f32.msk $0xffff, v9  }
0x11a: {  	v9 =	vld [tilespmem:s19+$0xC40]  }
0x11b: {  	[tilespmem:s21+$0x60] =	vst.add.f32.msk $0xffff, v10  }
0x11c: {  	v10 =	vld [tilespmem:s20+$0x70]  }
0x11d: {  	[tilespmem:s17+$0x1810] =	vst.add.f32.msk $0xffff, v8  }
0x11e: {  	v8 =	vld [tilespmem:s23+$0x1820]  }
0x11f: {  	[tilespmem:s18+$0xC40] =	vst.add.f32.msk $0xffff, v9  }
0x120: {  	v9 =	vld [tilespmem:s19+$0xC50]  }
0x121: {  	[tilespmem:s21+$0x70] =	vst.add.f32.msk $0xffff, v10  }
0x122: {  	v10 =	vld [tilespmem:s20+$0x400]  }
0x123: {  	[tilespmem:s17+$0x1820] =	vst.add.f32.msk $0xffff, v8  }
0x124: {  	v8 =	vld [tilespmem:s23+$0x1830]  }
0x125: {  	[tilespmem:s18+$0xC50] =	vst.add.f32.msk $0xffff, v9  }
0x126: {  	v9 =	vld [tilespmem:s19+$0xC60]  }
0x127: {  	[tilespmem:s21+$0x400] =	vst.add.f32.msk $0xffff, v10  }
0x128: {  	v10 =	vld [tilespmem:s20+$0x410]  }
0x129: {  	[tilespmem:s17+$0x1830] =	vst.add.f32.msk $0xffff, v8  }
0x12a: {  	v8 =	vld [tilespmem:s23+$0x1840]  }
0x12b: {  	[tilespmem:s18+$0xC60] =	vst.add.f32.msk $0xffff, v9  }
0x12c: {  	v9 =	vld [tilespmem:s19+$0xC70]  }
0x12d: {  	[tilespmem:s21+$0x410] =	vst.add.f32.msk $0xffff, v10  }
0x12e: {  	v10 =	vld [tilespmem:s20+$0x420]  }
0x12f: {  	[tilespmem:s17+$0x1840] =	vst.add.f32.msk $0xffff, v8  }
0x130: {  	v8 =	vld [tilespmem:s23+$0x1850]  }
0x131: {  	[tilespmem:s18+$0xC70] =	vst.add.f32.msk $0xffff, v9  }
0x132: {  	v9 =	vld [tilespmem:s19+$0x1000]  }
0x133: {  	[tilespmem:s21+$0x420] =	vst.add.f32.msk $0xffff, v10  }
0x134: {  	v10 =	vld [tilespmem:s20+$0x430]  }
0x135: {  	[tilespmem:s17+$0x1850] =	vst.add.f32.msk $0xffff, v8  }
0x136: {  	v8 =	vld [tilespmem:s23+$0x1860]  }
0x137: {  	[tilespmem:s18+$0x1000] =	vst.add.f32.msk $0xffff, v9  }
0x138: {  	v9 =	vld [tilespmem:s19+$0x1010]  }
0x139: {  	[tilespmem:s21+$0x430] =	vst.add.f32.msk $0xffff, v10  }
0x13a: {  	v10 =	vld [tilespmem:s20+$0x440]  }
0x13b: {  	[tilespmem:s17+$0x1860] =	vst.add.f32.msk $0xffff, v8  }
0x13c: {  	v8 =	vld [tilespmem:s23+$0x1870]  }
0x13d: {  	[tilespmem:s18+$0x1010] =	vst.add.f32.msk $0xffff, v9  }
0x13e: {  	v9 =	vld [tilespmem:s19+$0x1020]  }
0x13f: {  	[tilespmem:s21+$0x440] =	vst.add.f32.msk $0xffff, v10  }
0x140: {  	v10 =	vld [tilespmem:s20+$0x450]  }
0x141: {  	[tilespmem:s17+$0x1870] =	vst.add.f32.msk $0xffff, v8  }
0x142: {  	v8 =	vld [tilespmem:s23+$0x1C00]  }
0x143: {  	[tilespmem:s18+$0x1020] =	vst.add.f32.msk $0xffff, v9  }
0x144: {  	v9 =	vld [tilespmem:s19+$0x1030]  }
0x145: {  	[tilespmem:s21+$0x450] =	vst.add.f32.msk $0xffff, v10  }
0x146: {  	v10 =	vld [tilespmem:s20+$0x460]  }
0x147: {  	[tilespmem:s17+$0x1C00] =	vst.add.f32.msk $0xffff, v8  }
0x148: {  	v8 =	vld [tilespmem:s23+$0x1C10]  }
0x149: {  	[tilespmem:s18+$0x1030] =	vst.add.f32.msk $0xffff, v9  }
0x14a: {  	v9 =	vld [tilespmem:s19+$0x1040]  }
0x14b: {  	[tilespmem:s21+$0x460] =	vst.add.f32.msk $0xffff, v10  }
0x14c: {  	v10 =	vld [tilespmem:s20+$0x470]  }
0x14d: {  	[tilespmem:s17+$0x1C10] =	vst.add.f32.msk $0xffff, v8  }
0x14e: {  	v8 =	vld [tilespmem:s23+$0x1C20]  }
0x14f: {  	[tilespmem:s18+$0x1040] =	vst.add.f32.msk $0xffff, v9  }
0x150: {  	v9 =	vld [tilespmem:s19+$0x1050]  }
0x151: {  	[tilespmem:s21+$0x470] =	vst.add.f32.msk $0xffff, v10  }
0x152: {  	v10 =	vld [tilespmem:s20+$0x800]  }
0x153: {  	[tilespmem:s17+$0x1C20] =	vst.add.f32.msk $0xffff, v8  }
0x154: {  	v8 =	vld [tilespmem:s23+$0x1C30]  }
0x155: {  	[tilespmem:s18+$0x1050] =	vst.add.f32.msk $0xffff, v9  }
0x156: {  	v9 =	vld [tilespmem:s19+$0x1060]  }
0x157: {  	[tilespmem:s21+$0x800] =	vst.add.f32.msk $0xffff, v10  }
0x158: {  	v10 =	vld [tilespmem:s20+$0x810]  }
0x159: {  	[tilespmem:s17+$0x1C30] =	vst.add.f32.msk $0xffff, v8  }
0x15a: {  	v8 =	vld [tilespmem:s23+$0x1C40]  }
0x15b: {  	[tilespmem:s18+$0x1060] =	vst.add.f32.msk $0xffff, v9  }
0x15c: {  	v9 =	vld [tilespmem:s19+$0x1070]  }
0x15d: {  	[tilespmem:s21+$0x810] =	vst.add.f32.msk $0xffff, v10  }
0x15e: {  	v10 =	vld [tilespmem:s20+$0x820]  }
0x15f: {  	[tilespmem:s17+$0x1C40] =	vst.add.f32.msk $0xffff, v8  }
0x160: {  	v8 =	vld [tilespmem:s23+$0x1C50]  }
0x161: {  	[tilespmem:s18+$0x1070] =	vst.add.f32.msk $0xffff, v9  }
0x162: {  	v9 =	vld [tilespmem:s19+$0x1400]  }
0x163: {  	[tilespmem:s21+$0x820] =	vst.add.f32.msk $0xffff, v10  }
0x164: {  	v10 =	vld [tilespmem:s20+$0x830]  }
0x165: {  	[tilespmem:s17+$0x1C50] =	vst.add.f32.msk $0xffff, v8  }
0x166: {  	v8 =	vld [tilespmem:s23+$0x1C60]  }
0x167: {  	[tilespmem:s18+$0x1400] =	vst.add.f32.msk $0xffff, v9  }
0x168: {  	v9 =	vld [tilespmem:s19+$0x1410]  }
0x169: {  	[tilespmem:s21+$0x830] =	vst.add.f32.msk $0xffff, v10  }
0x16a: {  	v10 =	vld [tilespmem:s20+$0x840]  }
0x16b: {  	[tilespmem:s17+$0x1C60] =	vst.add.f32.msk $0xffff, v8  }
0x16c: {  	v8 =	vld [tilespmem:s23+$0x1C70]  }
0x16d: {  	[tilespmem:s18+$0x1410] =	vst.add.f32.msk $0xffff, v9  }
0x16e: {  	s28 =	simm.s32 $0xC00;
	v9 =	vld [tilespmem:s19+$0x1420]  }
0x16f: {  	s26 =	sand.u32 $0x2000, s28;
	s24 =	simm.s32 $0x180;
	[tilespmem:s21+$0x840] =	vst.add.f32.msk $0xffff, v10;
	s23 =	simm.s32 $0x1000  }
.LBB2_5:
0x170: {  	p0 =	sne.s32 s23, $0x3C00;
	s28 =	sand.u32 $0x380, s24;
	s25 =	sadd.s32 s26, s22;
	v10 =	vld [tilespmem:s20+$0x850]  }
0x171: {  	s25 =	sadd.s32 s28, s25;
	[tilespmem:s17+$0x1C70] =	vst.add.f32.msk $0xffff, v8;
	s17 =	smov.u32 s18;
	s18 =	smov.u32 s21  }
0x172: {  	v8 =	vld [tilespmem:s25+$0x0]  }
0x173: {  	[tilespmem:s17+$0x1420] =	vst.add.f32.msk $0xffff, v9  }
0x174: {  	v9 =	vld [tilespmem:s19+$0x1430]  }
0x175: {  	s21 =	sadd.s32 s26, s16;
	[tilespmem:s18+$0x850] =	vst.add.f32.msk $0xffff, v10  }
0x176: {  	s21 =	sadd.s32 s28, s21;
	v10 =	vld [tilespmem:s20+$0x860]  }
0x177: {  	[tilespmem:s21+$0x0] =	vst.add.f32.msk $0xffff, v8  }
0x178: {  	v8 =	vld [tilespmem:s25+$0x10]  }
0x179: {  	[tilespmem:s17+$0x1430] =	vst.add.f32.msk $0xffff, v9  }
0x17a: {  	v9 =	vld [tilespmem:s19+$0x1440]  }
0x17b: {  	[tilespmem:s18+$0x860] =	vst.add.f32.msk $0xffff, v10  }
0x17c: {  	v10 =	vld [tilespmem:s20+$0x870]  }
0x17d: {  	[tilespmem:s21+$0x10] =	vst.add.f32.msk $0xffff, v8  }
0x17e: {  	v8 =	vld [tilespmem:s25+$0x20]  }
0x17f: {  	[tilespmem:s17+$0x1440] =	vst.add.f32.msk $0xffff, v9  }
0x180: {  	v9 =	vld [tilespmem:s19+$0x1450]  }
0x181: {  	[tilespmem:s18+$0x870] =	vst.add.f32.msk $0xffff, v10  }
0x182: {  	v10 =	vld [tilespmem:s20+$0xC00]  }
0x183: {  	[tilespmem:s21+$0x20] =	vst.add.f32.msk $0xffff, v8  }
0x184: {  	v8 =	vld [tilespmem:s25+$0x30]  }
0x185: {  	[tilespmem:s17+$0x1450] =	vst.add.f32.msk $0xffff, v9  }
0x186: {  	v9 =	vld [tilespmem:s19+$0x1460]  }
0x187: {  	[tilespmem:s18+$0xC00] =	vst.add.f32.msk $0xffff, v10  }
0x188: {  	v10 =	vld [tilespmem:s20+$0xC10]  }
0x189: {  	[tilespmem:s21+$0x30] =	vst.add.f32.msk $0xffff, v8  }
0x18a: {  	v8 =	vld [tilespmem:s25+$0x40]  }
0x18b: {  	[tilespmem:s17+$0x1460] =	vst.add.f32.msk $0xffff, v9  }
0x18c: {  	v9 =	vld [tilespmem:s19+$0x1470]  }
0x18d: {  	[tilespmem:s18+$0xC10] =	vst.add.f32.msk $0xffff, v10  }
0x18e: {  	v10 =	vld [tilespmem:s20+$0xC20]  }
0x18f: {  	[tilespmem:s21+$0x40] =	vst.add.f32.msk $0xffff, v8  }
0x190: {  	v8 =	vld [tilespmem:s25+$0x50]  }
0x191: {  	[tilespmem:s17+$0x1470] =	vst.add.f32.msk $0xffff, v9  }
0x192: {  	v9 =	vld [tilespmem:s19+$0x1800]  }
0x193: {  	[tilespmem:s18+$0xC20] =	vst.add.f32.msk $0xffff, v10  }
0x194: {  	v10 =	vld [tilespmem:s20+$0xC30]  }
0x195: {  	[tilespmem:s21+$0x50] =	vst.add.f32.msk $0xffff, v8  }
0x196: {  	v8 =	vld [tilespmem:s25+$0x60]  }
0x197: {  	[tilespmem:s17+$0x1800] =	vst.add.f32.msk $0xffff, v9  }
0x198: {  	v9 =	vld [tilespmem:s19+$0x1810]  }
0x199: {  	[tilespmem:s18+$0xC30] =	vst.add.f32.msk $0xffff, v10  }
0x19a: {  	v10 =	vld [tilespmem:s20+$0xC40]  }
0x19b: {  	[tilespmem:s21+$0x60] =	vst.add.f32.msk $0xffff, v8  }
0x19c: {  	v8 =	vld [tilespmem:s25+$0x70]  }
0x19d: {  	[tilespmem:s17+$0x1810] =	vst.add.f32.msk $0xffff, v9  }
0x19e: {  	v9 =	vld [tilespmem:s19+$0x1820]  }
0x19f: {  	[tilespmem:s18+$0xC40] =	vst.add.f32.msk $0xffff, v10  }
0x1a0: {  	v10 =	vld [tilespmem:s20+$0xC50]  }
0x1a1: {  	[tilespmem:s21+$0x70] =	vst.add.f32.msk $0xffff, v8  }
0x1a2: {  	v8 =	vld [tilespmem:s25+$0x400]  }
0x1a3: {  	[tilespmem:s17+$0x1820] =	vst.add.f32.msk $0xffff, v9  }
0x1a4: {  	v9 =	vld [tilespmem:s19+$0x1830]  }
0x1a5: {  	[tilespmem:s18+$0xC50] =	vst.add.f32.msk $0xffff, v10  }
0x1a6: {  	v10 =	vld [tilespmem:s20+$0xC60]  }
0x1a7: {  	[tilespmem:s21+$0x400] =	vst.add.f32.msk $0xffff, v8  }
0x1a8: {  	v8 =	vld [tilespmem:s25+$0x410]  }
0x1a9: {  	[tilespmem:s17+$0x1830] =	vst.add.f32.msk $0xffff, v9  }
0x1aa: {  	v9 =	vld [tilespmem:s19+$0x1840]  }
0x1ab: {  	[tilespmem:s18+$0xC60] =	vst.add.f32.msk $0xffff, v10  }
0x1ac: {  	v10 =	vld [tilespmem:s20+$0xC70]  }
0x1ad: {  	[tilespmem:s21+$0x410] =	vst.add.f32.msk $0xffff, v8  }
0x1ae: {  	v8 =	vld [tilespmem:s25+$0x420]  }
0x1af: {  	[tilespmem:s17+$0x1840] =	vst.add.f32.msk $0xffff, v9  }
0x1b0: {  	v9 =	vld [tilespmem:s19+$0x1850]  }
0x1b1: {  	[tilespmem:s18+$0xC70] =	vst.add.f32.msk $0xffff, v10  }
0x1b2: {  	v10 =	vld [tilespmem:s20+$0x1000]  }
0x1b3: {  	[tilespmem:s21+$0x420] =	vst.add.f32.msk $0xffff, v8  }
0x1b4: {  	v8 =	vld [tilespmem:s25+$0x430]  }
0x1b5: {  	[tilespmem:s17+$0x1850] =	vst.add.f32.msk $0xffff, v9  }
0x1b6: {  	v9 =	vld [tilespmem:s19+$0x1860]  }
0x1b7: {  	[tilespmem:s18+$0x1000] =	vst.add.f32.msk $0xffff, v10  }
0x1b8: {  	v10 =	vld [tilespmem:s20+$0x1010]  }
0x1b9: {  	[tilespmem:s21+$0x430] =	vst.add.f32.msk $0xffff, v8  }
0x1ba: {  	v8 =	vld [tilespmem:s25+$0x440]  }
0x1bb: {  	[tilespmem:s17+$0x1860] =	vst.add.f32.msk $0xffff, v9  }
0x1bc: {  	v9 =	vld [tilespmem:s19+$0x1870]  }
0x1bd: {  	[tilespmem:s18+$0x1010] =	vst.add.f32.msk $0xffff, v10  }
0x1be: {  	v10 =	vld [tilespmem:s20+$0x1020]  }
0x1bf: {  	[tilespmem:s21+$0x440] =	vst.add.f32.msk $0xffff, v8  }
0x1c0: {  	v8 =	vld [tilespmem:s25+$0x450]  }
0x1c1: {  	[tilespmem:s17+$0x1870] =	vst.add.f32.msk $0xffff, v9  }
0x1c2: {  	v9 =	vld [tilespmem:s19+$0x1C00]  }
0x1c3: {  	[tilespmem:s18+$0x1020] =	vst.add.f32.msk $0xffff, v10  }
0x1c4: {  	v10 =	vld [tilespmem:s20+$0x1030]  }
0x1c5: {  	[tilespmem:s21+$0x450] =	vst.add.f32.msk $0xffff, v8  }
0x1c6: {  	v8 =	vld [tilespmem:s25+$0x460]  }
0x1c7: {  	[tilespmem:s17+$0x1C00] =	vst.add.f32.msk $0xffff, v9  }
0x1c8: {  	v9 =	vld [tilespmem:s19+$0x1C10]  }
0x1c9: {  	[tilespmem:s18+$0x1030] =	vst.add.f32.msk $0xffff, v10  }
0x1ca: {  	v10 =	vld [tilespmem:s20+$0x1040]  }
0x1cb: {  	[tilespmem:s21+$0x460] =	vst.add.f32.msk $0xffff, v8  }
0x1cc: {  	v8 =	vld [tilespmem:s25+$0x470]  }
0x1cd: {  	[tilespmem:s17+$0x1C10] =	vst.add.f32.msk $0xffff, v9  }
0x1ce: {  	v9 =	vld [tilespmem:s19+$0x1C20]  }
0x1cf: {  	[tilespmem:s18+$0x1040] =	vst.add.f32.msk $0xffff, v10  }
0x1d0: {  	v10 =	vld [tilespmem:s20+$0x1050]  }
0x1d1: {  	[tilespmem:s21+$0x470] =	vst.add.f32.msk $0xffff, v8  }
0x1d2: {  	v8 =	vld [tilespmem:s25+$0x800]  }
0x1d3: {  	[tilespmem:s17+$0x1C20] =	vst.add.f32.msk $0xffff, v9  }
0x1d4: {  	v9 =	vld [tilespmem:s19+$0x1C30]  }
0x1d5: {  	[tilespmem:s18+$0x1050] =	vst.add.f32.msk $0xffff, v10  }
0x1d6: {  	v10 =	vld [tilespmem:s20+$0x1060]  }
0x1d7: {  	[tilespmem:s21+$0x800] =	vst.add.f32.msk $0xffff, v8  }
0x1d8: {  	v8 =	vld [tilespmem:s25+$0x810]  }
0x1d9: {  	[tilespmem:s17+$0x1C30] =	vst.add.f32.msk $0xffff, v9  }
0x1da: {  	v9 =	vld [tilespmem:s19+$0x1C40]  }
0x1db: {  	[tilespmem:s18+$0x1060] =	vst.add.f32.msk $0xffff, v10  }
0x1dc: {  	v10 =	vld [tilespmem:s20+$0x1070]  }
0x1dd: {  	[tilespmem:s21+$0x810] =	vst.add.f32.msk $0xffff, v8  }
0x1de: {  	v8 =	vld [tilespmem:s25+$0x820]  }
0x1df: {  	[tilespmem:s17+$0x1C40] =	vst.add.f32.msk $0xffff, v9  }
0x1e0: {  	v9 =	vld [tilespmem:s19+$0x1C50]  }
0x1e1: {  	[tilespmem:s18+$0x1070] =	vst.add.f32.msk $0xffff, v10  }
0x1e2: {  	v10 =	vld [tilespmem:s20+$0x1400]  }
0x1e3: {  	[tilespmem:s21+$0x820] =	vst.add.f32.msk $0xffff, v8  }
0x1e4: {  	v8 =	vld [tilespmem:s25+$0x830]  }
0x1e5: {  	[tilespmem:s17+$0x1C50] =	vst.add.f32.msk $0xffff, v9  }
0x1e6: {  	v9 =	vld [tilespmem:s19+$0x1C60]  }
0x1e7: {  	[tilespmem:s18+$0x1400] =	vst.add.f32.msk $0xffff, v10  }
0x1e8: {  	v10 =	vld [tilespmem:s20+$0x1410]  }
0x1e9: {  	[tilespmem:s21+$0x830] =	vst.add.f32.msk $0xffff, v8  }
0x1ea: {  	v11 =	vld [tilespmem:s25+$0x840]  }
.Ltmp1:
0x1eb: {  	[tilespmem:s17+$0x1C60] =	vst.add.f32.msk $0xffff, v9;
	(pc) =	sbr.rel @p0 .LBB2_5-.Ltmp1, $4  }
0x1ec: {  	v8 =	vld [tilespmem:s19+$0x1C70];
	s19 =	smov.u32 s20;
	s20 =	smov.u32 s25  }
0x1ed: {  	[tilespmem:s18+$0x1410] =	vst.add.f32.msk $0xffff, v10  }
0x1ee: {  	v9 =	vld [tilespmem:s19+$0x1420]  }
0x1ef: {  	s24 =	sadd.s32 $0x80, s24;
	s26 =	sand.u32 $0x2000, s23;
	s23 =	sadd.s32 $0x400, s23;
	[tilespmem:s21+$0x840] =	vst.add.f32.msk $0xffff, v11  }
0x1f0: {  	s24 =	sand.u32 $0x380, s24;
	s22 =	sadd.s32 s26, s22  }
0x1f1: {  	s23 =	sadd.s32 s24, s22  }
0x1f2: {  	v10 =	vld [tilespmem:s23+$0x0];
	_ =	sdelay $0x2  }
0x1f3: {  	s28 =	sadd.s32 s26, s16  }
0x1f4: {  	s22 =	sadd.s32 s24, s28  }
0x1f5: {  	[tilespmem:s22+$0x0] =	vst.add.f32.msk $0xffff, v10  }
0x1f6: {  	v10 =	vld [tilespmem:s23+$0x10];
	_ =	sdelay $0x4  }
0x1f7: {  	[tilespmem:s22+$0x10] =	vst.add.f32.msk $0xffff, v10  }
0x1f8: {  	v10 =	vld [tilespmem:s23+$0x20];
	_ =	sdelay $0x4  }
0x1f9: {  	[tilespmem:s22+$0x20] =	vst.add.f32.msk $0xffff, v10  }
0x1fa: {  	v10 =	vld [tilespmem:s23+$0x30];
	_ =	sdelay $0x4  }
0x1fb: {  	[tilespmem:s22+$0x30] =	vst.add.f32.msk $0xffff, v10  }
0x1fc: {  	v10 =	vld [tilespmem:s23+$0x40];
	_ =	sdelay $0x4  }
0x1fd: {  	[tilespmem:s22+$0x40] =	vst.add.f32.msk $0xffff, v10  }
0x1fe: {  	v10 =	vld [tilespmem:s23+$0x50];
	_ =	sdelay $0x4  }
0x1ff: {  	[tilespmem:s22+$0x50] =	vst.add.f32.msk $0xffff, v10  }
0x200: {  	v10 =	vld [tilespmem:s23+$0x60];
	_ =	sdelay $0x4  }
0x201: {  	[tilespmem:s22+$0x60] =	vst.add.f32.msk $0xffff, v10  }
0x202: {  	v10 =	vld [tilespmem:s23+$0x70];
	_ =	sdelay $0x4  }
0x203: {  	[tilespmem:s22+$0x70] =	vst.add.f32.msk $0xffff, v10  }
0x204: {  	v10 =	vld [tilespmem:s23+$0x400];
	_ =	sdelay $0x4  }
0x205: {  	[tilespmem:s22+$0x400] =	vst.add.f32.msk $0xffff, v10  }
0x206: {  	v10 =	vld [tilespmem:s23+$0x410];
	_ =	sdelay $0x4  }
0x207: {  	[tilespmem:s22+$0x410] =	vst.add.f32.msk $0xffff, v10  }
0x208: {  	v10 =	vld [tilespmem:s23+$0x420];
	_ =	sdelay $0x4  }
0x209: {  	[tilespmem:s22+$0x420] =	vst.add.f32.msk $0xffff, v10  }
0x20a: {  	v10 =	vld [tilespmem:s23+$0x430];
	_ =	sdelay $0x4  }
0x20b: {  	[tilespmem:s22+$0x430] =	vst.add.f32.msk $0xffff, v10  }
0x20c: {  	v10 =	vld [tilespmem:s23+$0x440];
	_ =	sdelay $0x4  }
0x20d: {  	[tilespmem:s22+$0x440] =	vst.add.f32.msk $0xffff, v10  }
0x20e: {  	v10 =	vld [tilespmem:s23+$0x450];
	_ =	sdelay $0x4  }
0x20f: {  	[tilespmem:s22+$0x450] =	vst.add.f32.msk $0xffff, v10  }
0x210: {  	v10 =	vld [tilespmem:s23+$0x460];
	_ =	sdelay $0x4  }
0x211: {  	[tilespmem:s22+$0x460] =	vst.add.f32.msk $0xffff, v10  }
0x212: {  	v10 =	vld [tilespmem:s23+$0x470];
	_ =	sdelay $0x4  }
0x213: {  	[tilespmem:s22+$0x470] =	vst.add.f32.msk $0xffff, v10  }
0x214: {  	v10 =	vld [tilespmem:s23+$0x800];
	_ =	sdelay $0x4  }
0x215: {  	[tilespmem:s22+$0x800] =	vst.add.f32.msk $0xffff, v10  }
0x216: {  	v10 =	vld [tilespmem:s23+$0x810];
	_ =	sdelay $0x4  }
0x217: {  	[tilespmem:s22+$0x810] =	vst.add.f32.msk $0xffff, v10  }
0x218: {  	v10 =	vld [tilespmem:s23+$0x820];
	_ =	sdelay $0x4  }
0x219: {  	[tilespmem:s22+$0x820] =	vst.add.f32.msk $0xffff, v10  }
0x21a: {  	v10 =	vld [tilespmem:s23+$0x830];
	_ =	sdelay $0x4  }
0x21b: {  	[tilespmem:s22+$0x830] =	vst.add.f32.msk $0xffff, v10  }
0x21c: {  	v10 =	vld [tilespmem:s23+$0x840];
	_ =	sdelay $0x3  }
0x21d: {  	v11 =	vld [tilespmem:s20+$0x850]  }
0x21e: {  	[tilespmem:s22+$0x840] =	vst.add.f32.msk $0xffff, v10  }
0x21f: {  	v10 =	vld [tilespmem:s23+$0x850];
	_ =	sdelay $0x2  }
0x220: {  	[tilespmem:s21+$0x850] =	vst.add.f32.msk $0xffff, v11  }
0x221: {  	v11 =	vld [tilespmem:s20+$0x860]  }
0x222: {  	[tilespmem:s22+$0x850] =	vst.add.f32.msk $0xffff, v10  }
0x223: {  	v10 =	vld [tilespmem:s23+$0x860];
	_ =	sdelay $0x2  }
0x224: {  	[tilespmem:s21+$0x860] =	vst.add.f32.msk $0xffff, v11  }
0x225: {  	v11 =	vld [tilespmem:s20+$0x870]  }
0x226: {  	[tilespmem:s22+$0x860] =	vst.add.f32.msk $0xffff, v10  }
0x227: {  	v10 =	vld [tilespmem:s23+$0x870];
	_ =	sdelay $0x2  }
0x228: {  	[tilespmem:s21+$0x870] =	vst.add.f32.msk $0xffff, v11  }
0x229: {  	v11 =	vld [tilespmem:s20+$0xC00]  }
0x22a: {  	[tilespmem:s22+$0x870] =	vst.add.f32.msk $0xffff, v10  }
0x22b: {  	v10 =	vld [tilespmem:s23+$0xC00];
	_ =	sdelay $0x2  }
0x22c: {  	[tilespmem:s21+$0xC00] =	vst.add.f32.msk $0xffff, v11  }
0x22d: {  	v11 =	vld [tilespmem:s20+$0xC10]  }
0x22e: {  	[tilespmem:s22+$0xC00] =	vst.add.f32.msk $0xffff, v10  }
0x22f: {  	v10 =	vld [tilespmem:s23+$0xC10];
	_ =	sdelay $0x2  }
0x230: {  	[tilespmem:s21+$0xC10] =	vst.add.f32.msk $0xffff, v11  }
0x231: {  	v11 =	vld [tilespmem:s20+$0xC20]  }
0x232: {  	[tilespmem:s22+$0xC10] =	vst.add.f32.msk $0xffff, v10  }
0x233: {  	v10 =	vld [tilespmem:s23+$0xC20];
	_ =	sdelay $0x2  }
0x234: {  	[tilespmem:s21+$0xC20] =	vst.add.f32.msk $0xffff, v11  }
0x235: {  	v11 =	vld [tilespmem:s20+$0xC30]  }
0x236: {  	[tilespmem:s22+$0xC20] =	vst.add.f32.msk $0xffff, v10  }
0x237: {  	v10 =	vld [tilespmem:s23+$0xC30];
	_ =	sdelay $0x2  }
0x238: {  	[tilespmem:s21+$0xC30] =	vst.add.f32.msk $0xffff, v11  }
0x239: {  	v11 =	vld [tilespmem:s20+$0xC40]  }
0x23a: {  	[tilespmem:s22+$0xC30] =	vst.add.f32.msk $0xffff, v10  }
0x23b: {  	v10 =	vld [tilespmem:s23+$0xC40];
	_ =	sdelay $0x2  }
0x23c: {  	[tilespmem:s21+$0xC40] =	vst.add.f32.msk $0xffff, v11  }
0x23d: {  	v11 =	vld [tilespmem:s20+$0xC50]  }
0x23e: {  	[tilespmem:s22+$0xC40] =	vst.add.f32.msk $0xffff, v10  }
0x23f: {  	v10 =	vld [tilespmem:s23+$0xC50];
	_ =	sdelay $0x2  }
0x240: {  	[tilespmem:s21+$0xC50] =	vst.add.f32.msk $0xffff, v11  }
0x241: {  	v11 =	vld [tilespmem:s20+$0xC60]  }
0x242: {  	[tilespmem:s22+$0xC50] =	vst.add.f32.msk $0xffff, v10  }
0x243: {  	v10 =	vld [tilespmem:s23+$0xC60];
	_ =	sdelay $0x2  }
0x244: {  	[tilespmem:s21+$0xC60] =	vst.add.f32.msk $0xffff, v11  }
0x245: {  	v11 =	vld [tilespmem:s20+$0xC70]  }
0x246: {  	[tilespmem:s22+$0xC60] =	vst.add.f32.msk $0xffff, v10  }
0x247: {  	v10 =	vld [tilespmem:s23+$0xC70];
	_ =	sdelay $0x2  }
0x248: {  	[tilespmem:s21+$0xC70] =	vst.add.f32.msk $0xffff, v11  }
0x249: {  	v11 =	vld [tilespmem:s20+$0x1000]  }
0x24a: {  	[tilespmem:s22+$0xC70] =	vst.add.f32.msk $0xffff, v10  }
0x24b: {  	v10 =	vld [tilespmem:s23+$0x1000];
	_ =	sdelay $0x2  }
0x24c: {  	[tilespmem:s21+$0x1000] =	vst.add.f32.msk $0xffff, v11  }
0x24d: {  	v11 =	vld [tilespmem:s20+$0x1010]  }
0x24e: {  	[tilespmem:s22+$0x1000] =	vst.add.f32.msk $0xffff, v10  }
0x24f: {  	v10 =	vld [tilespmem:s23+$0x1010];
	_ =	sdelay $0x2  }
0x250: {  	[tilespmem:s21+$0x1010] =	vst.add.f32.msk $0xffff, v11  }
0x251: {  	v11 =	vld [tilespmem:s20+$0x1020]  }
0x252: {  	[tilespmem:s22+$0x1010] =	vst.add.f32.msk $0xffff, v10  }
0x253: {  	v10 =	vld [tilespmem:s23+$0x1020];
	_ =	sdelay $0x2  }
0x254: {  	[tilespmem:s21+$0x1020] =	vst.add.f32.msk $0xffff, v11  }
0x255: {  	v11 =	vld [tilespmem:s20+$0x1030]  }
0x256: {  	[tilespmem:s22+$0x1020] =	vst.add.f32.msk $0xffff, v10  }
0x257: {  	v10 =	vld [tilespmem:s23+$0x1030];
	_ =	sdelay $0x2  }
0x258: {  	[tilespmem:s21+$0x1030] =	vst.add.f32.msk $0xffff, v11  }
0x259: {  	v11 =	vld [tilespmem:s20+$0x1040]  }
0x25a: {  	[tilespmem:s22+$0x1030] =	vst.add.f32.msk $0xffff, v10  }
0x25b: {  	v10 =	vld [tilespmem:s23+$0x1040];
	_ =	sdelay $0x2  }
0x25c: {  	[tilespmem:s21+$0x1040] =	vst.add.f32.msk $0xffff, v11  }
0x25d: {  	v11 =	vld [tilespmem:s20+$0x1050]  }
0x25e: {  	[tilespmem:s22+$0x1040] =	vst.add.f32.msk $0xffff, v10  }
0x25f: {  	v10 =	vld [tilespmem:s23+$0x1050];
	_ =	sdelay $0x2  }
0x260: {  	[tilespmem:s21+$0x1050] =	vst.add.f32.msk $0xffff, v11  }
0x261: {  	v11 =	vld [tilespmem:s20+$0x1060]  }
0x262: {  	[tilespmem:s22+$0x1050] =	vst.add.f32.msk $0xffff, v10  }
0x263: {  	v10 =	vld [tilespmem:s23+$0x1060];
	_ =	sdelay $0x2  }
0x264: {  	[tilespmem:s21+$0x1060] =	vst.add.f32.msk $0xffff, v11  }
0x265: {  	v11 =	vld [tilespmem:s20+$0x1070]  }
0x266: {  	[tilespmem:s22+$0x1060] =	vst.add.f32.msk $0xffff, v10  }
0x267: {  	v10 =	vld [tilespmem:s23+$0x1070];
	_ =	sdelay $0x2  }
0x268: {  	[tilespmem:s21+$0x1070] =	vst.add.f32.msk $0xffff, v11  }
0x269: {  	v11 =	vld [tilespmem:s20+$0x1400]  }
0x26a: {  	[tilespmem:s22+$0x1070] =	vst.add.f32.msk $0xffff, v10  }
0x26b: {  	v10 =	vld [tilespmem:s23+$0x1400];
	_ =	sdelay $0x2  }
0x26c: {  	[tilespmem:s21+$0x1400] =	vst.add.f32.msk $0xffff, v11  }
0x26d: {  	v11 =	vld [tilespmem:s20+$0x1410]  }
0x26e: {  	[tilespmem:s22+$0x1400] =	vst.add.f32.msk $0xffff, v10  }
0x26f: {  	v10 =	vld [tilespmem:s23+$0x1410];
	_ =	sdelay $0x2  }
0x270: {  	[tilespmem:s21+$0x1410] =	vst.add.f32.msk $0xffff, v11  }
0x271: {  	v11 =	vld [tilespmem:s20+$0x1420]  }
0x272: {  	[tilespmem:s22+$0x1410] =	vst.add.f32.msk $0xffff, v10  }
0x273: {  	v10 =	vld [tilespmem:s23+$0x1420]  }
0x274: {  	[tilespmem:s18+$0x1420] =	vst.add.f32.msk $0xffff, v9  }
0x275: {  	v9 =	vld [tilespmem:s19+$0x1430]  }
0x276: {  	[tilespmem:s21+$0x1420] =	vst.add.f32.msk $0xffff, v11  }
0x277: {  	v11 =	vld [tilespmem:s20+$0x1430]  }
0x278: {  	[tilespmem:s22+$0x1420] =	vst.add.f32.msk $0xffff, v10  }
0x279: {  	v10 =	vld [tilespmem:s23+$0x1430]  }
0x27a: {  	[tilespmem:s18+$0x1430] =	vst.add.f32.msk $0xffff, v9  }
0x27b: {  	v9 =	vld [tilespmem:s19+$0x1440]  }
0x27c: {  	[tilespmem:s21+$0x1430] =	vst.add.f32.msk $0xffff, v11  }
0x27d: {  	v11 =	vld [tilespmem:s20+$0x1440]  }
0x27e: {  	[tilespmem:s22+$0x1430] =	vst.add.f32.msk $0xffff, v10  }
0x27f: {  	v10 =	vld [tilespmem:s23+$0x1440]  }
0x280: {  	[tilespmem:s18+$0x1440] =	vst.add.f32.msk $0xffff, v9  }
0x281: {  	v9 =	vld [tilespmem:s19+$0x1450]  }
0x282: {  	[tilespmem:s21+$0x1440] =	vst.add.f32.msk $0xffff, v11  }
0x283: {  	v11 =	vld [tilespmem:s20+$0x1450]  }
0x284: {  	[tilespmem:s22+$0x1440] =	vst.add.f32.msk $0xffff, v10  }
0x285: {  	v10 =	vld [tilespmem:s23+$0x1450]  }
0x286: {  	[tilespmem:s18+$0x1450] =	vst.add.f32.msk $0xffff, v9  }
0x287: {  	v9 =	vld [tilespmem:s19+$0x1460]  }
0x288: {  	[tilespmem:s21+$0x1450] =	vst.add.f32.msk $0xffff, v11  }
0x289: {  	v11 =	vld [tilespmem:s20+$0x1460]  }
0x28a: {  	[tilespmem:s22+$0x1450] =	vst.add.f32.msk $0xffff, v10  }
0x28b: {  	v10 =	vld [tilespmem:s23+$0x1460]  }
0x28c: {  	[tilespmem:s18+$0x1460] =	vst.add.f32.msk $0xffff, v9  }
0x28d: {  	v9 =	vld [tilespmem:s19+$0x1470]  }
0x28e: {  	[tilespmem:s21+$0x1460] =	vst.add.f32.msk $0xffff, v11  }
0x28f: {  	v11 =	vld [tilespmem:s20+$0x1470]  }
0x290: {  	[tilespmem:s22+$0x1460] =	vst.add.f32.msk $0xffff, v10  }
0x291: {  	v10 =	vld [tilespmem:s23+$0x1470]  }
0x292: {  	[tilespmem:s18+$0x1470] =	vst.add.f32.msk $0xffff, v9  }
0x293: {  	v9 =	vld [tilespmem:s19+$0x1800]  }
0x294: {  	[tilespmem:s21+$0x1470] =	vst.add.f32.msk $0xffff, v11  }
0x295: {  	v11 =	vld [tilespmem:s20+$0x1800]  }
0x296: {  	[tilespmem:s22+$0x1470] =	vst.add.f32.msk $0xffff, v10  }
0x297: {  	v10 =	vld [tilespmem:s23+$0x1800]  }
0x298: {  	[tilespmem:s18+$0x1800] =	vst.add.f32.msk $0xffff, v9  }
0x299: {  	v9 =	vld [tilespmem:s19+$0x1810]  }
0x29a: {  	[tilespmem:s21+$0x1800] =	vst.add.f32.msk $0xffff, v11  }
0x29b: {  	v11 =	vld [tilespmem:s20+$0x1810]  }
0x29c: {  	[tilespmem:s22+$0x1800] =	vst.add.f32.msk $0xffff, v10  }
0x29d: {  	v10 =	vld [tilespmem:s23+$0x1810]  }
0x29e: {  	[tilespmem:s18+$0x1810] =	vst.add.f32.msk $0xffff, v9  }
0x29f: {  	v9 =	vld [tilespmem:s19+$0x1820]  }
0x2a0: {  	[tilespmem:s21+$0x1810] =	vst.add.f32.msk $0xffff, v11  }
0x2a1: {  	v11 =	vld [tilespmem:s20+$0x1820]  }
0x2a2: {  	[tilespmem:s22+$0x1810] =	vst.add.f32.msk $0xffff, v10  }
0x2a3: {  	v10 =	vld [tilespmem:s23+$0x1820]  }
0x2a4: {  	[tilespmem:s18+$0x1820] =	vst.add.f32.msk $0xffff, v9  }
0x2a5: {  	v9 =	vld [tilespmem:s19+$0x1830]  }
0x2a6: {  	[tilespmem:s21+$0x1820] =	vst.add.f32.msk $0xffff, v11  }
0x2a7: {  	v11 =	vld [tilespmem:s20+$0x1830]  }
0x2a8: {  	[tilespmem:s22+$0x1820] =	vst.add.f32.msk $0xffff, v10  }
0x2a9: {  	v10 =	vld [tilespmem:s23+$0x1830]  }
0x2aa: {  	[tilespmem:s18+$0x1830] =	vst.add.f32.msk $0xffff, v9  }
0x2ab: {  	v9 =	vld [tilespmem:s19+$0x1840]  }
0x2ac: {  	[tilespmem:s21+$0x1830] =	vst.add.f32.msk $0xffff, v11  }
0x2ad: {  	v11 =	vld [tilespmem:s20+$0x1840]  }
0x2ae: {  	[tilespmem:s22+$0x1830] =	vst.add.f32.msk $0xffff, v10  }
0x2af: {  	v10 =	vld [tilespmem:s23+$0x1840]  }
0x2b0: {  	[tilespmem:s18+$0x1840] =	vst.add.f32.msk $0xffff, v9  }
0x2b1: {  	v9 =	vld [tilespmem:s19+$0x1850]  }
0x2b2: {  	[tilespmem:s21+$0x1840] =	vst.add.f32.msk $0xffff, v11  }
0x2b3: {  	v11 =	vld [tilespmem:s20+$0x1850]  }
0x2b4: {  	[tilespmem:s22+$0x1840] =	vst.add.f32.msk $0xffff, v10  }
0x2b5: {  	v10 =	vld [tilespmem:s23+$0x1850]  }
0x2b6: {  	[tilespmem:s18+$0x1850] =	vst.add.f32.msk $0xffff, v9  }
0x2b7: {  	v9 =	vld [tilespmem:s19+$0x1860]  }
0x2b8: {  	[tilespmem:s21+$0x1850] =	vst.add.f32.msk $0xffff, v11  }
0x2b9: {  	v11 =	vld [tilespmem:s20+$0x1860]  }
0x2ba: {  	[tilespmem:s22+$0x1850] =	vst.add.f32.msk $0xffff, v10  }
0x2bb: {  	v10 =	vld [tilespmem:s23+$0x1860]  }
0x2bc: {  	[tilespmem:s18+$0x1860] =	vst.add.f32.msk $0xffff, v9  }
0x2bd: {  	v9 =	vld [tilespmem:s19+$0x1870]  }
0x2be: {  	[tilespmem:s21+$0x1860] =	vst.add.f32.msk $0xffff, v11  }
0x2bf: {  	v11 =	vld [tilespmem:s20+$0x1870]  }
0x2c0: {  	[tilespmem:s22+$0x1860] =	vst.add.f32.msk $0xffff, v10  }
0x2c1: {  	v10 =	vld [tilespmem:s23+$0x1870]  }
0x2c2: {  	[tilespmem:s18+$0x1870] =	vst.add.f32.msk $0xffff, v9  }
0x2c3: {  	v9 =	vld [tilespmem:s19+$0x1C00]  }
0x2c4: {  	[tilespmem:s21+$0x1870] =	vst.add.f32.msk $0xffff, v11  }
0x2c5: {  	v11 =	vld [tilespmem:s20+$0x1C00]  }
0x2c6: {  	[tilespmem:s22+$0x1870] =	vst.add.f32.msk $0xffff, v10  }
0x2c7: {  	v10 =	vld [tilespmem:s23+$0x1C00]  }
0x2c8: {  	[tilespmem:s18+$0x1C00] =	vst.add.f32.msk $0xffff, v9  }
0x2c9: {  	v9 =	vld [tilespmem:s19+$0x1C10]  }
0x2ca: {  	[tilespmem:s21+$0x1C00] =	vst.add.f32.msk $0xffff, v11  }
0x2cb: {  	v11 =	vld [tilespmem:s20+$0x1C10]  }
0x2cc: {  	[tilespmem:s22+$0x1C00] =	vst.add.f32.msk $0xffff, v10  }
0x2cd: {  	v10 =	vld [tilespmem:s23+$0x1C10]  }
0x2ce: {  	[tilespmem:s18+$0x1C10] =	vst.add.f32.msk $0xffff, v9  }
0x2cf: {  	v9 =	vld [tilespmem:s19+$0x1C20]  }
0x2d0: {  	[tilespmem:s21+$0x1C10] =	vst.add.f32.msk $0xffff, v11  }
0x2d1: {  	v11 =	vld [tilespmem:s20+$0x1C20]  }
0x2d2: {  	[tilespmem:s22+$0x1C10] =	vst.add.f32.msk $0xffff, v10  }
0x2d3: {  	v10 =	vld [tilespmem:s23+$0x1C20]  }
0x2d4: {  	[tilespmem:s18+$0x1C20] =	vst.add.f32.msk $0xffff, v9  }
0x2d5: {  	v9 =	vld [tilespmem:s19+$0x1C30]  }
0x2d6: {  	[tilespmem:s21+$0x1C20] =	vst.add.f32.msk $0xffff, v11  }
0x2d7: {  	v11 =	vld [tilespmem:s20+$0x1C30]  }
0x2d8: {  	[tilespmem:s22+$0x1C20] =	vst.add.f32.msk $0xffff, v10  }
0x2d9: {  	v10 =	vld [tilespmem:s23+$0x1C30]  }
0x2da: {  	[tilespmem:s18+$0x1C30] =	vst.add.f32.msk $0xffff, v9  }
0x2db: {  	v9 =	vld [tilespmem:s19+$0x1C40]  }
0x2dc: {  	[tilespmem:s21+$0x1C30] =	vst.add.f32.msk $0xffff, v11  }
0x2dd: {  	v11 =	vld [tilespmem:s20+$0x1C40]  }
0x2de: {  	[tilespmem:s22+$0x1C30] =	vst.add.f32.msk $0xffff, v10  }
0x2df: {  	v10 =	vld [tilespmem:s23+$0x1C40]  }
0x2e0: {  	[tilespmem:s18+$0x1C40] =	vst.add.f32.msk $0xffff, v9  }
0x2e1: {  	v9 =	vld [tilespmem:s19+$0x1C50]  }
0x2e2: {  	[tilespmem:s21+$0x1C40] =	vst.add.f32.msk $0xffff, v11  }
0x2e3: {  	v11 =	vld [tilespmem:s20+$0x1C50]  }
0x2e4: {  	[tilespmem:s22+$0x1C40] =	vst.add.f32.msk $0xffff, v10  }
0x2e5: {  	v10 =	vld [tilespmem:s23+$0x1C50]  }
0x2e6: {  	[tilespmem:s18+$0x1C50] =	vst.add.f32.msk $0xffff, v9  }
0x2e7: {  	v9 =	vld [tilespmem:s19+$0x1C60]  }
0x2e8: {  	[tilespmem:s21+$0x1C50] =	vst.add.f32.msk $0xffff, v11  }
0x2e9: {  	v11 =	vld [tilespmem:s20+$0x1C60]  }
0x2ea: {  	[tilespmem:s22+$0x1C50] =	vst.add.f32.msk $0xffff, v10  }
0x2eb: {  	v10 =	vld [tilespmem:s23+$0x1C60]  }
0x2ec: {  	[tilespmem:s18+$0x1C60] =	vst.add.f32.msk $0xffff, v9  }
0x2ed: {  	v9 =	vld [tilespmem:s19+$0x1C70]  }
0x2ee: {  	[tilespmem:s21+$0x1C60] =	vst.add.f32.msk $0xffff, v11  }
0x2ef: {  	v11 =	vld [tilespmem:s20+$0x1C70]  }
0x2f0: {  	[tilespmem:s22+$0x1C60] =	vst.add.f32.msk $0xffff, v10  }
0x2f1: {  	v10 =	vld [tilespmem:s23+$0x1C70];
	_ =	sdelay $0x1  }
0x2f2: {  	p0 =	slt.u32 s14, $0x20;
	[tilespmem:s17+$0x1C70] =	vst.add.f32.msk $0xffff, v8  }
.Ltmp2:
0x2f3: {  	[tilespmem:s18+$0x1C70] =	vst.add.f32.msk $0xffff, v9;
	(pc) =	sbr.rel @p0 .LBB2_2-.Ltmp2, $4  }
0x2f4: {  	s13 =	sshll.u32 s13, $0xB;
	[tilespmem:s21+$0x1C70] =	vst.add.f32.msk $0xffff, v11  }
0x2f5: {  	s15 =	sor.u32 $0x8, s15;
	s13 =	sadd.s32 s13, s9;
	[tilespmem:s22+$0x1C70] =	vst.add.f32.msk $0xffff, v10  }
0x2f6: {  	[hbm4b:s13+s3] =	stream.linear.scatter [tilespmem:s16], [sflag:s15], $0x4000, $0x38;
	[tilespmem:$0x1C080] =	vst v63  }
0x2f7: {  	s13 =	smov.u32 s14  }
0x2f8: {  	_ =	swait.ge [sflag:s30], $0x4000  }
0x2f9: {  	[sflag:s30] =	ssyncset.done $0x0  }
0x2fa: {  	s1 =	sadd.s32 $0x1, s1;
	[sflag:s30] =	ssyncadd.s32 $0xFFFFC000  }
0x2fb: {  	p0 =	sne.s32 s1, s10;
	_ =	swait.ge [sflag:s31], $0x4000  }
.Ltmp3:
0x2fc: {  	[sflag:s31] =	ssyncset.done $0x0;
	(pc) =	sbr.rel @p0 .LBB2_1-.Ltmp3, $4  }
0x2fd: {  	[sflag:s31] =	ssyncadd.s32 $0xFFFFC000  }
0x2fe: {  	_ =	swait.ge [sflag:s0], $0x4000  }
0x2ff: {  	[sflag:s0] =	ssyncset.done $0x0  }
0x300: {  	[sflag:s0] =	ssyncadd.s32 $0xFFFFC000  }
0x301: {  	_ =	sfence.sel $0x180000  }
0x302: {  	[bflag:$0x0] =	sbarrier.arrive $0xFFFF  }
0x303: {  	_ =	strace $0x90000047  }
0x304: {  	s0 =	stileid.u32;
	[bflag:$0x2] =	sbarrier.arrive $0xFFFF  }
0x305: {  	p0 =	sne.s32 s0, $0x0;
	s0 =	rddreg [dreg:$0x4]  }
0x306: {  	s0 =	sadd.s32 @!p0 $0x100000, s0  }
0x307: {  	[sflag:s0] =	ssyncadd.tile.s32 @!p0 $0x1;
	_ =	shalt  }
.Lfunc_end2:
_tile_overlayer_lowered:
.L_overlay_start_2:
0x308: {  	(tag) =	ssettag $0x2  }
0x309: {  	s0 =	rddreg [dreg:$0x0];
	s2 =	stileid.u32  }
0x30a: {  	s1 =	rddreg [dreg:$0x1];
	p0 =	sne.s32 s2, $0x0  }
0x30b: {  	s3 =	rddreg [dreg:$0x2];
	[bflag:$0x3] =	sbarrier.arrive $0xFFFF;
	s2 =	simm.s32 @!p0 $0x1C0C  }
0x30c: {  	[timem:s3], [sflag:s2] =	dma.local @!p0 [hbm:s0], s1  }
0x30d: {  	s0 =	simm.s32 @!p0 $0xC  }
0x30e: {  	_ =	swait.ge @!p0 [sflag:s0], s1  }
0x30f: {  	s1 =	ssub.s32 @!p0 $0x0, s1;
	[sflag:s0] =	ssyncset.done @!p0 $0x0  }
0x310: {  	[sflag:s0] =	ssyncadd.s32 @!p0 s1  }
0x311: {  	[bflag:$0x3] =	sbarrier.arrive $0xFFFF  }
0x312: {  	_ =	shalt  }

</sc_bundles>
